<compile_context>
chip_gen: v7x
topology: tpu7x:2x2x1
jax: 0.10.2.dev20260603
libtpu: 0.0.44.dev20260713+nightly
codegen_flags: <defaults>
</compile_context>

<pallas_src>
import jax
import jax.numpy as jnp
from jax import lax
from jax.experimental import pallas as pl
from jax.experimental.pallas import tpu as pltpu
from jax.experimental.pallas import tpu_sc as plsc

_COST_CLASS = 2.0
_COST_BBOX = 5.0
_COST_GIOU = 2.0
_ALPHA = 0.25

_BS, _Q, _C, _T, _P = 8, 900, 256, 100, 4
_QP = 912
_RMP = 1024
_TP = 128
_NCH = _RMP // 16
_BIGF = 1e30


def _cost_body(logits_ref, boxes_ref, tboxT_ref, pmapT_ref, c_ref, cp_ref,
               rm_ref):
    logits = logits_ref[0]
    p = jax.nn.sigmoid(logits)
    one_m_p = 1.0 - p
    neg = (1.0 - _ALPHA) * (p * p) * (-jnp.log(one_m_p))
    pos = _ALPHA * (one_m_p * one_m_p) * (-jnp.log(p + 1e-8))
    diff = pos - neg

    cio = lax.broadcasted_iota(jnp.int32, (_C, _T), 0)
    gs = []
    for pp in range(_P):
        idx = pmapT_ref[0, pp : pp + 1, :]
        onehot = (cio == idx).astype(jnp.float32)
        gs.append(lax.dot_general(
            diff, onehot, (((1,), (0,)), ((), ())),
            preferred_element_type=jnp.float32,
            precision=lax.Precision.HIGHEST,
        ))
    cost_class = ((gs[0] + gs[1]) + (gs[2] + gs[3])) * (1.0 / _P)

    boxes = boxes_ref[0]
    bcx, bcy, bw, bh = (boxes[:, k : k + 1] for k in range(4))
    tb = tboxT_ref[0]
    tcx, tcy, tw, th = (tb[k : k + 1, :] for k in range(4))

    cost_bbox = ((jnp.abs(bcx - tcx) + jnp.abs(bcy - tcy))
                 + jnp.abs(bw - tw)) + jnp.abs(bh - th)

    bx0, by0 = bcx - 0.5 * bw, bcy - 0.5 * bh
    bx1, by1 = bcx + 0.5 * bw, bcy + 0.5 * bh
    tx0, ty0 = tcx - 0.5 * tw, tcy - 0.5 * th
    tx1, ty1 = tcx + 0.5 * tw, tcy + 0.5 * th

    area1 = (bx1 - bx0) * (by1 - by0)
    area2 = (tx1 - tx0) * (ty1 - ty0)
    ltx, lty = jnp.maximum(bx0, tx0), jnp.maximum(by0, ty0)
    rbx, rby = jnp.minimum(bx1, tx1), jnp.minimum(by1, ty1)
    whx, why = jnp.maximum(rbx - ltx, 0.0), jnp.maximum(rby - lty, 0.0)
    inter = whx * why
    union = area1 + area2 - inter
    iou = inter / (union + 1e-8)
    ltx2, lty2 = jnp.minimum(bx0, tx0), jnp.minimum(by0, ty0)
    rbx2, rby2 = jnp.maximum(bx1, tx1), jnp.maximum(by1, ty1)
    whx2, why2 = jnp.maximum(rbx2 - ltx2, 0.0), jnp.maximum(rby2 - lty2, 0.0)
    area = whx2 * why2
    giou = iou - (area - union) / (area + 1e-8)
    cost_giou = -giou

    cost = (_COST_BBOX * cost_bbox + _COST_CLASS * cost_class) \
        + _COST_GIOU * cost_giou
    c_ref[0] = cost
    cp_ref[0, 0:_Q, 0:_T] = cost
    cp_ref[0, 0:_Q, _T:_TP] = jnp.full((_Q, _TP - _T), _BIGF, jnp.float32)
    cp_ref[0, _Q:_QP, :] = jnp.full((_QP - _Q, _TP), _BIGF, jnp.float32)
    rm = jnp.min(cost, axis=1, keepdims=True)
    rmT = jnp.transpose(rm, (1, 0))
    rm_ref[0] = jnp.concatenate(
        [rmT, jnp.full((1, _RMP - _Q), _BIGF, jnp.float32)], axis=1)


def _sc_assign(cp_hbm, rm_hbm, rows_hbm, cols_hbm, cp_v, rm_v, cm_v, colp_v,
               rows_v, cols_v):
    c = lax.axis_index("c")
    s = lax.axis_index("s")
    wid = s * 2 + c
    iota = lax.broadcasted_iota(jnp.int32, (16,), 0)
    bigf_v = jnp.full((16,), _BIGF, jnp.float32)

    @pl.when(wid < _BS)
    def _work():
        b = wid
        pltpu.sync_copy(cp_hbm.at[b], cp_v)
        pltpu.sync_copy(rm_hbm.at[b, 0], rm_v)

        for j in range(_TP // 16):
            colp_v[pl.ds(16 * j, 16)] = jnp.zeros((16,), jnp.float32)
        for j in range(8):
            rows_v[pl.ds(16 * j, 16)] = jnp.zeros((16,), jnp.int32)
            cols_v[pl.ds(16 * j, 16)] = 16 * j + iota

        def row_slice(r, j):
            off = pl.multiple_of(r * _TP + 16 * j, 16)
            return cp_v[pl.ds(off, 16)]

        for jj in range(_NCH // 16):
            acc = jnp.full((16,), _BIGF, jnp.float32)
            for l in range(16):
                v = jnp.min(rm_v[pl.ds(16 * (16 * jj + l), 16)])
                acc = jnp.where(iota == l, v, acc)
            cm_v[pl.ds(16 * jj, 16)] = acc

        def update_cm(jc):
            off = pl.multiple_of(16 * jc, 16)
            nv = jnp.min(rm_v[pl.ds(off, 16)])
            coff = pl.multiple_of(16 * (jc // 16), 16)
            cch = cm_v[pl.ds(coff, 16)]
            cm_v[pl.ds(coff, 16)] = jnp.where(iota == jc % 16, nv, cch)

        def pick_body(carry):
            chs = [cm_v[pl.ds(16 * jj, 16)] for jj in range(_NCH // 16)]
            acc = jnp.minimum(jnp.minimum(chs[0], chs[1]),
                              jnp.minimum(chs[2], chs[3]))
            m = jnp.min(acc)
            jcand = jnp.full((16,), _NCH, jnp.int32)
            for jj, ch in enumerate(chs):
                jcand = jnp.minimum(
                    jcand, jnp.where(ch == m, 16 * jj + iota, _NCH))
            jc = jnp.min(jcand)
            roff = pl.multiple_of(16 * jc, 16)
            rch = rm_v[pl.ds(roff, 16)]
            lane = jnp.min(jnp.where(rch == m, iota, 16))
            q = 16 * jc + lane
            bestv = jnp.full((16,), _BIGF, jnp.float32)
            bestc = jnp.full((16,), _TP, jnp.int32)
            for j in range(_TP // 16):
                cidx = 16 * j + iota
                v = row_slice(q, j)
                pz = colp_v[pl.ds(16 * j, 16)]
                v = jnp.where(pz > 0.0, _BIGF, v)
                upd = v < bestv
                bestv = jnp.where(upd, v, bestv)
                bestc = jnp.where(upd, cidx, bestc)
            rv = jnp.min(bestv)
            t = jnp.min(jnp.where(bestv == rv, bestc, _TP))
            rm_v[pl.ds(roff, 16)] = jnp.where(iota == lane, rv, rch)
            update_cm(jc)
            return (rv == m, q, t)

        def iter_body(i, _):
            init = (jnp.bool_(False), jnp.int32(0), jnp.int32(0))
            _, q, t = lax.while_loop(
                lambda cr: jnp.logical_not(cr[0]), pick_body, init)
            toff = pl.multiple_of(16 * (t // 16), 16)
            tlane = t % 16
            rwch = rows_v[pl.ds(toff, 16)]
            rows_v[pl.ds(toff, 16)] = jnp.where(iota == tlane, q, rwch)
            pch = colp_v[pl.ds(toff, 16)]
            colp_v[pl.ds(toff, 16)] = jnp.where(iota == tlane, _BIGF, pch)
            jc = q // 16
            qoff = pl.multiple_of(16 * jc, 16)
            rch = rm_v[pl.ds(qoff, 16)]
            rm_v[pl.ds(qoff, 16)] = jnp.where(iota == q % 16, _BIGF, rch)
            update_cm(jc)
            return 0
        lax.fori_loop(0, _T, iter_body, 0)

        pltpu.sync_copy(rows_v, rows_hbm.at[b])
        pltpu.sync_copy(cols_v, cols_hbm.at[b])


def kernel(pred_logits, pred_boxes, tgt_boxes, positive_map):
    tboxT = jnp.transpose(tgt_boxes, (0, 2, 1))
    pmapT = jnp.transpose(positive_map.astype(jnp.int32), (0, 2, 1))

    C, Cp, Rm = pl.pallas_call(
        _cost_body,
        grid=(_BS,),
        in_specs=[
            pl.BlockSpec((1, _Q, _C), lambda b: (b, 0, 0)),
            pl.BlockSpec((1, _Q, 4), lambda b: (b, 0, 0)),
            pl.BlockSpec((1, 4, _T), lambda b: (b, 0, 0)),
            pl.BlockSpec((1, 4, _T), lambda b: (b, 0, 0)),
        ],
        out_specs=[
            pl.BlockSpec((1, _Q, _T), lambda b: (b, 0, 0)),
            pl.BlockSpec((1, _QP, _TP), lambda b: (b, 0, 0)),
            pl.BlockSpec((1, 1, _RMP), lambda b: (b, 0, 0)),
        ],
        out_shape=[
            jax.ShapeDtypeStruct((_BS, _Q, _T), jnp.float32),
            jax.ShapeDtypeStruct((_BS, _QP, _TP), jnp.float32),
            jax.ShapeDtypeStruct((_BS, 1, _RMP), jnp.float32),
        ],
    )(pred_logits, pred_boxes, tboxT, pmapT)

    mesh = plsc.VectorSubcoreMesh(core_axis_name="c", subcore_axis_name="s")
    rows_p, cols_p = pl.kernel(
        _sc_assign,
        out_type=[
            jax.ShapeDtypeStruct((_BS, 128), jnp.int32),
            jax.ShapeDtypeStruct((_BS, 128), jnp.int32),
        ],
        mesh=mesh,
        compiler_params=pltpu.CompilerParams(needs_layout_passes=False),
        scratch_types=[
            pltpu.VMEM((_QP * _TP,), jnp.float32),
            pltpu.VMEM((_RMP,), jnp.float32),
            pltpu.VMEM((_NCH,), jnp.float32),
            pltpu.VMEM((_TP,), jnp.float32),
            pltpu.VMEM((128,), jnp.int32),
            pltpu.VMEM((128,), jnp.int32),
        ],
    )(jnp.reshape(Cp, (_BS, _QP * _TP)), Rm)

    rows = rows_p[:, :_T]
    cols = cols_p[:, :_T]
    return (C, rows, cols)

# --- scband reference (transcript-rebuilt; emitter-appended) ---
"""Pipeline reference for scband-hungarian-matcher-vl-66477503807570 (READ-ONLY COPY).

The authoritative reference and input builder live on the scoring server;
editing this copy changes nothing except your own understanding.
"""

import jax, jax.numpy as jnp
import numpy as np

COST_CLASS = 2.0
COST_BBOX = 5.0
COST_GIOU = 2.0
ALPHA = 0.25
GAMMA = 2.0


def box_cxcywh_to_xyxy(b):
    cx, cy, w, h = jnp.split(b, 4, axis=-1)
    return jnp.concatenate([cx - 0.5 * w, cy - 0.5 * h, cx + 0.5 * w, cy + 0.5 * h], axis=-1)


def generalized_box_iou(boxes1, boxes2):
    area1 = (boxes1[:, 2] - boxes1[:, 0]) * (boxes1[:, 3] - boxes1[:, 1])
    area2 = (boxes2[:, 2] - boxes2[:, 0]) * (boxes2[:, 3] - boxes2[:, 1])
    lt = jnp.maximum(boxes1[:, None, :2], boxes2[None, :, :2])
    rb = jnp.minimum(boxes1[:, None, 2:], boxes2[None, :, 2:])
    wh = jnp.clip(rb - lt, 0.0)
    inter = wh[..., 0] * wh[..., 1]
    union = area1[:, None] + area2[None, :] - inter
    iou = inter / (union + 1e-8)
    lt2 = jnp.minimum(boxes1[:, None, :2], boxes2[None, :, :2])
    rb2 = jnp.maximum(boxes1[:, None, 2:], boxes2[None, :, 2:])
    wh2 = jnp.clip(rb2 - lt2, 0.0)
    area = wh2[..., 0] * wh2[..., 1]
    return iou - (area - union) / (area + 1e-8)


def _cost_one(logits, boxes, tboxes, pmap):
    # logits: [Q, C], boxes: [Q, 4], tboxes: [T, 4], pmap: int [T, P]
    out_prob = jax.nn.sigmoid(logits)
    neg_cost = (1.0 - ALPHA) * (out_prob ** GAMMA) * (-jnp.log(1.0 - out_prob + 1e-8))
    pos_cost = ALPHA * ((1.0 - out_prob) ** GAMMA) * (-jnp.log(out_prob + 1e-8))
    diff = pos_cost - neg_cost  # [Q, C]
    gathered = jnp.take(diff, pmap, axis=1)  # [Q, T, P]
    cost_class = gathered.mean(axis=-1)  # [Q, T]
    cost_bbox = jnp.abs(boxes[:, None, :] - tboxes[None, :, :]).sum(-1)  # L1 cdist [Q, T]
    cost_giou = -generalized_box_iou(box_cxcywh_to_xyxy(boxes), box_cxcywh_to_xyxy(tboxes))
    return COST_BBOX * cost_bbox + COST_CLASS * cost_class + COST_GIOU * cost_giou


def _greedy_assign(C):
    # 1-to-1 assignment via iterated global argmin (Hungarian surrogate)
    Q, T = C.shape
    big = jnp.asarray(1e9, C.dtype)

    def body(i, state):
        Cm, rows, cols = state
        flat = jnp.argmin(Cm)
        q = (flat // T).astype(jnp.int32)
        t = (flat % T).astype(jnp.int32)
        rows = rows.at[i].set(q)
        cols = cols.at[i].set(t)
        Cm = Cm.at[q, :].set(big)
        Cm = Cm.at[:, t].set(big)
        return (Cm, rows, cols)

    init = (C, jnp.zeros((T,), jnp.int32), jnp.zeros((T,), jnp.int32))
    _, rows, cols = jax.lax.fori_loop(0, T, body, init)
    order = jnp.argsort(cols)
    return rows[order], cols[order]


def setup_inputs(seed: int = 0) -> dict:
    key = jax.random.key(seed)
    k1, k2, k3, k4 = jax.random.split(key, 4)
    bs, Q, C, T, P = 8, 900, 256, 100, 4
    pred_logits = jax.random.normal(k1, (bs, Q, C), dtype=jnp.float32)
    pred_boxes = jax.random.uniform(k2, (bs, Q, 4), dtype=jnp.float32)
    tgt_boxes = jax.random.uniform(k3, (bs, T, 4), dtype=jnp.float32)
    positive_map = jax.random.randint(k4, (bs, T, P), 0, C, dtype=jnp.int64)
    return {"pred_logits": pred_logits, "pred_boxes": pred_boxes, "tgt_boxes": tgt_boxes, "positive_map": positive_map}


def reference(pred_logits, pred_boxes, tgt_boxes, positive_map):
    C = jax.vmap(_cost_one)(pred_logits, pred_boxes, tgt_boxes, positive_map)  # [bs, Q, T]
    rows, cols = jax.vmap(_greedy_assign)(C)
    return (C, rows, cols)

if __name__ == "__main__":
    import jax
    _d = setup_inputs()
    print(jax.jit(kernel)(*tuple(_d.values())))

</pallas_src>

<mosaic_0001>
#map = affine_map<(d0, d1) -> (0, 0)>
#map1 = affine_map<(d0, d1) -> (0, 0, 0)>
module attributes {stable_mosaic.version = 14 : i64} {
  func.func @_sc_assign(%arg0: i32, %arg1: i32, %arg2: memref<8x116736xf32, #tpu.memory_space<hbm>>, %arg3: memref<8x1x1024xf32, #tpu.memory_space<hbm>>, %arg4: memref<8x128xi32, #tpu.memory_space<hbm>>, %arg5: memref<8x128xi32, #tpu.memory_space<hbm>>, %arg6: memref<116736xf32, #tpu.memory_space<vmem>>, %arg7: memref<1024xf32, #tpu.memory_space<vmem>>, %arg8: memref<64xf32, #tpu.memory_space<vmem>>, %arg9: memref<128xf32, #tpu.memory_space<vmem>>, %arg10: memref<128xi32, #tpu.memory_space<vmem>>, %arg11: memref<128xi32, #tpu.memory_space<vmem>>) attributes {dimension_semantics = [#tpu.dimension_semantics<core_parallel>, #tpu.dimension_semantics<subcore_parallel>], iteration_bounds = array<i64: 2, 16>, scalar_prefetch = 0 : i64, scratch_operands = 6 : i64, tpu.core_type = #tpu.core_type<sc_vector_subcore>, window_params = [{transform_indices = #map}, {transform_indices = #map1}, {transform_indices = #map}, {transform_indices = #map}]} {
    %mul3A = arith.constant 2 : i32
    %mul3A_0 = arith.muli %arg1, %mul3A : i32
    %add3A = arith.addi %mul3A_0, %arg0 : i32
    %iota3A = tpu.iota {dimensions = array<i32: 0>} : vector<16xi32>
    %broadcast_in_dim3A = arith.constant 1.000000e+30 : f32
    %broadcast_in_dim3A_1 = vector.broadcast %broadcast_in_dim3A : f32 to vector<16xf32>
    %lt3A = arith.constant 8 : i32
    %lt3A_2 = arith.cmpi slt, %add3A, %lt3A : i32
    %convert_element_type3A = arith.extui %lt3A_2 : i1 to i32
    %cond3A = arith.constant 0 : i32
    %cond3A_3 = arith.cmpi ne, %convert_element_type3A, %cond3A : i32
    scf.if %cond3A_3 {
      "tpu.region"() ({
        %run_scoped3A_829 = tpu.sem_alloc : memref<!tpu.dma_semaphore, #tpu.memory_space<semaphore_mem>>
        %dma_start3A = arith.constant 0 : i32
        %dma_start3A_830 = tpu.memref_slice %arg2[%add3A, %dma_start3A] : memref<8x116736xf32, #tpu.memory_space<hbm>> -> memref<1x116736xf32, #tpu.memory_space<hbm>>
        %dma_start3A_831 = tpu.memref_squeeze %dma_start3A_830 : memref<1x116736xf32, #tpu.memory_space<hbm>> -> memref<116736xf32, #tpu.memory_space<hbm>>
        %dma_start3A_832 = arith.constant 0 : i32
        %dma_start3A_833 = tpu.memref_slice %arg2[%add3A, %dma_start3A_832] : memref<8x116736xf32, #tpu.memory_space<hbm>> -> memref<1x116736xf32, #tpu.memory_space<hbm>>
        %dma_start3A_834 = tpu.memref_squeeze %dma_start3A_833 : memref<1x116736xf32, #tpu.memory_space<hbm>> -> memref<116736xf32, #tpu.memory_space<hbm>>
        tpu.enqueue_dma source(%dma_start3A_834 : memref<116736xf32, #tpu.memory_space<hbm>>) target(%arg6 : memref<116736xf32, #tpu.memory_space<vmem>>) target_semaphore(%run_scoped3A_829 : memref<!tpu.dma_semaphore, #tpu.memory_space<semaphore_mem>>)
        %dma_wait3A = arith.constant 0 : i32
        %dma_wait3A_835 = tpu.memref_slice %arg2[%add3A, %dma_wait3A] : memref<8x116736xf32, #tpu.memory_space<hbm>> -> memref<1x116736xf32, #tpu.memory_space<hbm>>
        %dma_wait3A_836 = tpu.memref_squeeze %dma_wait3A_835 : memref<1x116736xf32, #tpu.memory_space<hbm>> -> memref<116736xf32, #tpu.memory_space<hbm>>
        %dma_wait3A_837 = arith.constant 0 : i32
        %dma_wait3A_838 = tpu.memref_slice %arg2[%add3A, %dma_wait3A_837] : memref<8x116736xf32, #tpu.memory_space<hbm>> -> memref<1x116736xf32, #tpu.memory_space<hbm>>
        %dma_wait3A_839 = tpu.memref_squeeze %dma_wait3A_838 : memref<1x116736xf32, #tpu.memory_space<hbm>> -> memref<116736xf32, #tpu.memory_space<hbm>>
        tpu.wait_dma2 semaphore(%run_scoped3A_829 : memref<!tpu.dma_semaphore, #tpu.memory_space<semaphore_mem>>) src(%dma_wait3A_839 : memref<116736xf32, #tpu.memory_space<hbm>>) dst(%arg6 : memref<116736xf32, #tpu.memory_space<vmem>>)
        tpu.yield
      }) : () -> ()
      %run_scoped3A = arith.constant 0 : i32
      "tpu.region"() ({
        %run_scoped3A_829 = tpu.sem_alloc : memref<!tpu.dma_semaphore, #tpu.memory_space<semaphore_mem>>
        %dma_start3A = arith.constant 0 : i32
        %dma_start3A_830 = tpu.memref_slice %arg3[%add3A, %run_scoped3A, %dma_start3A] : memref<8x1x1024xf32, #tpu.memory_space<hbm>> -> memref<1x1x1024xf32, #tpu.memory_space<hbm>>
        %dma_start3A_831 = tpu.memref_squeeze %dma_start3A_830 : memref<1x1x1024xf32, #tpu.memory_space<hbm>> -> memref<1024xf32, #tpu.memory_space<hbm>>
        %dma_start3A_832 = arith.constant 0 : i32
        %dma_start3A_833 = tpu.memref_slice %arg3[%add3A, %run_scoped3A, %dma_start3A_832] : memref<8x1x1024xf32, #tpu.memory_space<hbm>> -> memref<1x1x1024xf32, #tpu.memory_space<hbm>>
        %dma_start3A_834 = tpu.memref_squeeze %dma_start3A_833 : memref<1x1x1024xf32, #tpu.memory_space<hbm>> -> memref<1024xf32, #tpu.memory_space<hbm>>
        tpu.enqueue_dma source(%dma_start3A_834 : memref<1024xf32, #tpu.memory_space<hbm>>) target(%arg7 : memref<1024xf32, #tpu.memory_space<vmem>>) target_semaphore(%run_scoped3A_829 : memref<!tpu.dma_semaphore, #tpu.memory_space<semaphore_mem>>)
        %dma_wait3A = arith.constant 0 : i32
        %dma_wait3A_835 = tpu.memref_slice %arg3[%add3A, %run_scoped3A, %dma_wait3A] : memref<8x1x1024xf32, #tpu.memory_space<hbm>> -> memref<1x1x1024xf32, #tpu.memory_space<hbm>>
        %dma_wait3A_836 = tpu.memref_squeeze %dma_wait3A_835 : memref<1x1x1024xf32, #tpu.memory_space<hbm>> -> memref<1024xf32, #tpu.memory_space<hbm>>
        %dma_wait3A_837 = arith.constant 0 : i32
        %dma_wait3A_838 = tpu.memref_slice %arg3[%add3A, %run_scoped3A, %dma_wait3A_837] : memref<8x1x1024xf32, #tpu.memory_space<hbm>> -> memref<1x1x1024xf32, #tpu.memory_space<hbm>>
        %dma_wait3A_839 = tpu.memref_squeeze %dma_wait3A_838 : memref<1x1x1024xf32, #tpu.memory_space<hbm>> -> memref<1024xf32, #tpu.memory_space<hbm>>
        tpu.wait_dma2 semaphore(%run_scoped3A_829 : memref<!tpu.dma_semaphore, #tpu.memory_space<semaphore_mem>>) src(%dma_wait3A_839 : memref<1024xf32, #tpu.memory_space<hbm>>) dst(%arg7 : memref<1024xf32, #tpu.memory_space<vmem>>)
        tpu.yield
      }) : () -> ()
      %broadcast_in_dim3A_4 = arith.constant 0.000000e+00 : f32
      %broadcast_in_dim3A_5 = vector.broadcast %broadcast_in_dim3A_4 : f32 to vector<16xf32>
      %swap3A = arith.constant 0 : index
      %swap3A_6 = tpu.vector_load %arg9[%swap3A] {strides = array<i32>} : memref<128xf32, #tpu.memory_space<vmem>>, vector<16xf32>,
      tpu.vector_store %arg9[%swap3A], %broadcast_in_dim3A_5 {strides = array<i32>} : memref<128xf32, #tpu.memory_space<vmem>>, vector<16xf32>,
      %broadcast_in_dim3A_7 = arith.constant 0.000000e+00 : f32
      %broadcast_in_dim3A_8 = vector.broadcast %broadcast_in_dim3A_7 : f32 to vector<16xf32>
      %swap3A_9 = arith.constant 16 : index
      %swap3A_10 = tpu.vector_load %arg9[%swap3A_9] {strides = array<i32>} : memref<128xf32, #tpu.memory_space<vmem>>, vector<16xf32>,
      tpu.vector_store %arg9[%swap3A_9], %broadcast_in_dim3A_8 {strides = array<i32>} : memref<128xf32, #tpu.memory_space<vmem>>, vector<16xf32>,
      %broadcast_in_dim3A_11 = arith.constant 0.000000e+00 : f32
      %broadcast_in_dim3A_12 = vector.broadcast %broadcast_in_dim3A_11 : f32 to vector<16xf32>
      %swap3A_13 = arith.constant 32 : index
      %swap3A_14 = tpu.vector_load %arg9[%swap3A_13] {strides = array<i32>} : memref<128xf32, #tpu.memory_space<vmem>>, vector<16xf32>,
      tpu.vector_store %arg9[%swap3A_13], %broadcast_in_dim3A_12 {strides = array<i32>} : memref<128xf32, #tpu.memory_space<vmem>>, vector<16xf32>,
      %broadcast_in_dim3A_15 = arith.constant 0.000000e+00 : f32
      %broadcast_in_dim3A_16 = vector.broadcast %broadcast_in_dim3A_15 : f32 to vector<16xf32>
      %swap3A_17 = arith.constant 48 : index
      %swap3A_18 = tpu.vector_load %arg9[%swap3A_17] {strides = array<i32>} : memref<128xf32, #tpu.memory_space<vmem>>, vector<16xf32>,
      tpu.vector_store %arg9[%swap3A_17], %broadcast_in_dim3A_16 {strides = array<i32>} : memref<128xf32, #tpu.memory_space<vmem>>, vector<16xf32>,
      %broadcast_in_dim3A_19 = arith.constant 0.000000e+00 : f32
      %broadcast_in_dim3A_20 = vector.broadcast %broadcast_in_dim3A_19 : f32 to vector<16xf32>
      %swap3A_21 = arith.constant 64 : index
      %swap3A_22 = tpu.vector_load %arg9[%swap3A_21] {strides = array<i32>} : memref<128xf32, #tpu.memory_space<vmem>>, vector<16xf32>,
      tpu.vector_store %arg9[%swap3A_21], %broadcast_in_dim3A_20 {strides = array<i32>} : memref<128xf32, #tpu.memory_space<vmem>>, vector<16xf32>,
      %broadcast_in_dim3A_23 = arith.constant 0.000000e+00 : f32
      %broadcast_in_dim3A_24 = vector.broadcast %broadcast_in_dim3A_23 : f32 to vector<16xf32>
      %swap3A_25 = arith.constant 80 : index
      %swap3A_26 = tpu.vector_load %arg9[%swap3A_25] {strides = array<i32>} : memref<128xf32, #tpu.memory_space<vmem>>, vector<16xf32>,
      tpu.vector_store %arg9[%swap3A_25], %broadcast_in_dim3A_24 {strides = array<i32>} : memref<128xf32, #tpu.memory_space<vmem>>, vector<16xf32>,
      %broadcast_in_dim3A_27 = arith.constant 0.000000e+00 : f32
      %broadcast_in_dim3A_28 = vector.broadcast %broadcast_in_dim3A_27 : f32 to vector<16xf32>
      %swap3A_29 = arith.constant 96 : index
      %swap3A_30 = tpu.vector_load %arg9[%swap3A_29] {strides = array<i32>} : memref<128xf32, #tpu.memory_space<vmem>>, vector<16xf32>,
      tpu.vector_store %arg9[%swap3A_29], %broadcast_in_dim3A_28 {strides = array<i32>} : memref<128xf32, #tpu.memory_space<vmem>>, vector<16xf32>,
      %broadcast_in_dim3A_31 = arith.constant 0.000000e+00 : f32
      %broadcast_in_dim3A_32 = vector.broadcast %broadcast_in_dim3A_31 : f32 to vector<16xf32>
      %swap3A_33 = arith.constant 112 : index
      %swap3A_34 = tpu.vector_load %arg9[%swap3A_33] {strides = array<i32>} : memref<128xf32, #tpu.memory_space<vmem>>, vector<16xf32>,
      tpu.vector_store %arg9[%swap3A_33], %broadcast_in_dim3A_32 {strides = array<i32>} : memref<128xf32, #tpu.memory_space<vmem>>, vector<16xf32>,
      %broadcast_in_dim3A_35 = arith.constant 0 : i32
      %broadcast_in_dim3A_36 = vector.broadcast %broadcast_in_dim3A_35 : i32 to vector<16xi32>
      %swap3A_37 = arith.constant 0 : index
      %swap3A_38 = tpu.vector_load %arg10[%swap3A_37] {strides = array<i32>} : memref<128xi32, #tpu.memory_space<vmem>>, vector<16xi32>,
      tpu.vector_store %arg10[%swap3A_37], %broadcast_in_dim3A_36 {strides = array<i32>} : memref<128xi32, #tpu.memory_space<vmem>>, vector<16xi32>,
      %add3A_39 = arith.constant 0 : i32
      %add3A_40 = vector.broadcast %add3A_39 : i32 to vector<16xi32>
      %add3A_41 = arith.addi %add3A_40, %iota3A : vector<16xi32>
      %swap3A_42 = arith.constant 0 : index
      %swap3A_43 = tpu.vector_load %arg11[%swap3A_42] {strides = array<i32>} : memref<128xi32, #tpu.memory_space<vmem>>, vector<16xi32>,
      tpu.vector_store %arg11[%swap3A_42], %add3A_41 {strides = array<i32>} : memref<128xi32, #tpu.memory_space<vmem>>, vector<16xi32>,
      %broadcast_in_dim3A_44 = arith.constant 0 : i32
      %broadcast_in_dim3A_45 = vector.broadcast %broadcast_in_dim3A_44 : i32 to vector<16xi32>
      %swap3A_46 = arith.constant 16 : index
      %swap3A_47 = tpu.vector_load %arg10[%swap3A_46] {strides = array<i32>} : memref<128xi32, #tpu.memory_space<vmem>>, vector<16xi32>,
      tpu.vector_store %arg10[%swap3A_46], %broadcast_in_dim3A_45 {strides = array<i32>} : memref<128xi32, #tpu.memory_space<vmem>>, vector<16xi32>,
      %add3A_48 = arith.constant 16 : i32
      %add3A_49 = vector.broadcast %add3A_48 : i32 to vector<16xi32>
      %add3A_50 = arith.addi %add3A_49, %iota3A : vector<16xi32>
      %swap3A_51 = arith.constant 16 : index
      %swap3A_52 = tpu.vector_load %arg11[%swap3A_51] {strides = array<i32>} : memref<128xi32, #tpu.memory_space<vmem>>, vector<16xi32>,
      tpu.vector_store %arg11[%swap3A_51], %add3A_50 {strides = array<i32>} : memref<128xi32, #tpu.memory_space<vmem>>, vector<16xi32>,
      %broadcast_in_dim3A_53 = arith.constant 0 : i32
      %broadcast_in_dim3A_54 = vector.broadcast %broadcast_in_dim3A_53 : i32 to vector<16xi32>
      %swap3A_55 = arith.constant 32 : index
      %swap3A_56 = tpu.vector_load %arg10[%swap3A_55] {strides = array<i32>} : memref<128xi32, #tpu.memory_space<vmem>>, vector<16xi32>,
      tpu.vector_store %arg10[%swap3A_55], %broadcast_in_dim3A_54 {strides = array<i32>} : memref<128xi32, #tpu.memory_space<vmem>>, vector<16xi32>,
      %add3A_57 = arith.constant 32 : i32
      %add3A_58 = vector.broadcast %add3A_57 : i32 to vector<16xi32>
      %add3A_59 = arith.addi %add3A_58, %iota3A : vector<16xi32>
      %swap3A_60 = arith.constant 32 : index
      %swap3A_61 = tpu.vector_load %arg11[%swap3A_60] {strides = array<i32>} : memref<128xi32, #tpu.memory_space<vmem>>, vector<16xi32>,
      tpu.vector_store %arg11[%swap3A_60], %add3A_59 {strides = array<i32>} : memref<128xi32, #tpu.memory_space<vmem>>, vector<16xi32>,
      %broadcast_in_dim3A_62 = arith.constant 0 : i32
      %broadcast_in_dim3A_63 = vector.broadcast %broadcast_in_dim3A_62 : i32 to vector<16xi32>
      %swap3A_64 = arith.constant 48 : index
      %swap3A_65 = tpu.vector_load %arg10[%swap3A_64] {strides = array<i32>} : memref<128xi32, #tpu.memory_space<vmem>>, vector<16xi32>,
      tpu.vector_store %arg10[%swap3A_64], %broadcast_in_dim3A_63 {strides = array<i32>} : memref<128xi32, #tpu.memory_space<vmem>>, vector<16xi32>,
      %add3A_66 = arith.constant 48 : i32
      %add3A_67 = vector.broadcast %add3A_66 : i32 to vector<16xi32>
      %add3A_68 = arith.addi %add3A_67, %iota3A : vector<16xi32>
      %swap3A_69 = arith.constant 48 : index
      %swap3A_70 = tpu.vector_load %arg11[%swap3A_69] {strides = array<i32>} : memref<128xi32, #tpu.memory_space<vmem>>, vector<16xi32>,
      tpu.vector_store %arg11[%swap3A_69], %add3A_68 {strides = array<i32>} : memref<128xi32, #tpu.memory_space<vmem>>, vector<16xi32>,
      %broadcast_in_dim3A_71 = arith.constant 0 : i32
      %broadcast_in_dim3A_72 = vector.broadcast %broadcast_in_dim3A_71 : i32 to vector<16xi32>
      %swap3A_73 = arith.constant 64 : index
      %swap3A_74 = tpu.vector_load %arg10[%swap3A_73] {strides = array<i32>} : memref<128xi32, #tpu.memory_space<vmem>>, vector<16xi32>,
      tpu.vector_store %arg10[%swap3A_73], %broadcast_in_dim3A_72 {strides = array<i32>} : memref<128xi32, #tpu.memory_space<vmem>>, vector<16xi32>,
      %add3A_75 = arith.constant 64 : i32
      %add3A_76 = vector.broadcast %add3A_75 : i32 to vector<16xi32>
      %add3A_77 = arith.addi %add3A_76, %iota3A : vector<16xi32>
      %swap3A_78 = arith.constant 64 : index
      %swap3A_79 = tpu.vector_load %arg11[%swap3A_78] {strides = array<i32>} : memref<128xi32, #tpu.memory_space<vmem>>, vector<16xi32>,
      tpu.vector_store %arg11[%swap3A_78], %add3A_77 {strides = array<i32>} : memref<128xi32, #tpu.memory_space<vmem>>, vector<16xi32>,
      %broadcast_in_dim3A_80 = arith.constant 0 : i32
      %broadcast_in_dim3A_81 = vector.broadcast %broadcast_in_dim3A_80 : i32 to vector<16xi32>
      %swap3A_82 = arith.constant 80 : index
      %swap3A_83 = tpu.vector_load %arg10[%swap3A_82] {strides = array<i32>} : memref<128xi32, #tpu.memory_space<vmem>>, vector<16xi32>,
      tpu.vector_store %arg10[%swap3A_82], %broadcast_in_dim3A_81 {strides = array<i32>} : memref<128xi32, #tpu.memory_space<vmem>>, vector<16xi32>,
      %add3A_84 = arith.constant 80 : i32
      %add3A_85 = vector.broadcast %add3A_84 : i32 to vector<16xi32>
      %add3A_86 = arith.addi %add3A_85, %iota3A : vector<16xi32>
      %swap3A_87 = arith.constant 80 : index
      %swap3A_88 = tpu.vector_load %arg11[%swap3A_87] {strides = array<i32>} : memref<128xi32, #tpu.memory_space<vmem>>, vector<16xi32>,
      tpu.vector_store %arg11[%swap3A_87], %add3A_86 {strides = array<i32>} : memref<128xi32, #tpu.memory_space<vmem>>, vector<16xi32>,
      %broadcast_in_dim3A_89 = arith.constant 0 : i32
      %broadcast_in_dim3A_90 = vector.broadcast %broadcast_in_dim3A_89 : i32 to vector<16xi32>
      %swap3A_91 = arith.constant 96 : index
      %swap3A_92 = tpu.vector_load %arg10[%swap3A_91] {strides = array<i32>} : memref<128xi32, #tpu.memory_space<vmem>>, vector<16xi32>,
      tpu.vector_store %arg10[%swap3A_91], %broadcast_in_dim3A_90 {strides = array<i32>} : memref<128xi32, #tpu.memory_space<vmem>>, vector<16xi32>,
      %add3A_93 = arith.constant 96 : i32
      %add3A_94 = vector.broadcast %add3A_93 : i32 to vector<16xi32>
      %add3A_95 = arith.addi %add3A_94, %iota3A : vector<16xi32>
      %swap3A_96 = arith.constant 96 : index
      %swap3A_97 = tpu.vector_load %arg11[%swap3A_96] {strides = array<i32>} : memref<128xi32, #tpu.memory_space<vmem>>, vector<16xi32>,
      tpu.vector_store %arg11[%swap3A_96], %add3A_95 {strides = array<i32>} : memref<128xi32, #tpu.memory_space<vmem>>, vector<16xi32>,
      %broadcast_in_dim3A_98 = arith.constant 0 : i32
      %broadcast_in_dim3A_99 = vector.broadcast %broadcast_in_dim3A_98 : i32 to vector<16xi32>
      %swap3A_100 = arith.constant 112 : index
      %swap3A_101 = tpu.vector_load %arg10[%swap3A_100] {strides = array<i32>} : memref<128xi32, #tpu.memory_space<vmem>>, vector<16xi32>,
      tpu.vector_store %arg10[%swap3A_100], %broadcast_in_dim3A_99 {strides = array<i32>} : memref<128xi32, #tpu.memory_space<vmem>>, vector<16xi32>,
      %add3A_102 = arith.constant 112 : i32
      %add3A_103 = vector.broadcast %add3A_102 : i32 to vector<16xi32>
      %add3A_104 = arith.addi %add3A_103, %iota3A : vector<16xi32>
      %swap3A_105 = arith.constant 112 : index
      %swap3A_106 = tpu.vector_load %arg11[%swap3A_105] {strides = array<i32>} : memref<128xi32, #tpu.memory_space<vmem>>, vector<16xi32>,
      tpu.vector_store %arg11[%swap3A_105], %add3A_104 {strides = array<i32>} : memref<128xi32, #tpu.memory_space<vmem>>, vector<16xi32>,
      %broadcast_in_dim3A_107 = arith.constant 1.000000e+30 : f32
      %broadcast_in_dim3A_108 = vector.broadcast %broadcast_in_dim3A_107 : f32 to vector<16xf32>
      %get3A = arith.constant 0 : index
      %get3A_109 = tpu.vector_load %arg7[%get3A] {strides = array<i32>} : memref<1024xf32, #tpu.memory_space<vmem>>, vector<16xf32>,
      %reduce_min3A = arith.constant true
      %reduce_min3A_110 = vector.broadcast %reduce_min3A : i1 to vector<16xi1>
      %reduce_min3A_111 = tpu.scan <min>, %get3A_109 masked %reduce_min3A_110 : vector<16xf32>, vector<16xi1> -> vector<16xf32>
      %reduce_min3A_112 = vector.extract %reduce_min3A_111[15] : f32 from vector<16xf32>
      %eq3A = arith.constant 0 : i32
      %eq3A_113 = vector.broadcast %eq3A : i32 to vector<16xi32>
      %eq3A_114 = arith.cmpi eq, %iota3A, %eq3A_113 : vector<16xi32>
      %broadcast_in_dim3A_115 = vector.broadcast %reduce_min3A_112 : f32 to vector<16xf32>
      %select_n3A = arith.select %eq3A_114, %broadcast_in_dim3A_115, %broadcast_in_dim3A_108 : vector<16xi1>, vector<16xf32>
      %get3A_116 = arith.constant 16 : index
      %get3A_117 = tpu.vector_load %arg7[%get3A_116] {strides = array<i32>} : memref<1024xf32, #tpu.memory_space<vmem>>, vector<16xf32>,
      %reduce_min3A_118 = arith.constant true
      %reduce_min3A_119 = vector.broadcast %reduce_min3A_118 : i1 to vector<16xi1>
      %reduce_min3A_120 = tpu.scan <min>, %get3A_117 masked %reduce_min3A_119 : vector<16xf32>, vector<16xi1> -> vector<16xf32>
      %reduce_min3A_121 = vector.extract %reduce_min3A_120[15] : f32 from vector<16xf32>
      %eq3A_122 = arith.constant 1 : i32
      %eq3A_123 = vector.broadcast %eq3A_122 : i32 to vector<16xi32>
      %eq3A_124 = arith.cmpi eq, %iota3A, %eq3A_123 : vector<16xi32>
      %broadcast_in_dim3A_125 = vector.broadcast %reduce_min3A_121 : f32 to vector<16xf32>
      %select_n3A_126 = arith.select %eq3A_124, %broadcast_in_dim3A_125, %select_n3A : vector<16xi1>, vector<16xf32>
      %get3A_127 = arith.constant 32 : index
      %get3A_128 = tpu.vector_load %arg7[%get3A_127] {strides = array<i32>} : memref<1024xf32, #tpu.memory_space<vmem>>, vector<16xf32>,
      %reduce_min3A_129 = arith.constant true
      %reduce_min3A_130 = vector.broadcast %reduce_min3A_129 : i1 to vector<16xi1>
      %reduce_min3A_131 = tpu.scan <min>, %get3A_128 masked %reduce_min3A_130 : vector<16xf32>, vector<16xi1> -> vector<16xf32>
      %reduce_min3A_132 = vector.extract %reduce_min3A_131[15] : f32 from vector<16xf32>
      %eq3A_133 = arith.constant 2 : i32
      %eq3A_134 = vector.broadcast %eq3A_133 : i32 to vector<16xi32>
      %eq3A_135 = arith.cmpi eq, %iota3A, %eq3A_134 : vector<16xi32>
      %broadcast_in_dim3A_136 = vector.broadcast %reduce_min3A_132 : f32 to vector<16xf32>
      %select_n3A_137 = arith.select %eq3A_135, %broadcast_in_dim3A_136, %select_n3A_126 : vector<16xi1>, vector<16xf32>
      %get3A_138 = arith.constant 48 : index
      %get3A_139 = tpu.vector_load %arg7[%get3A_138] {strides = array<i32>} : memref<1024xf32, #tpu.memory_space<vmem>>, vector<16xf32>,
      %reduce_min3A_140 = arith.constant true
      %reduce_min3A_141 = vector.broadcast %reduce_min3A_140 : i1 to vector<16xi1>
      %reduce_min3A_142 = tpu.scan <min>, %get3A_139 masked %reduce_min3A_141 : vector<16xf32>, vector<16xi1> -> vector<16xf32>
      %reduce_min3A_143 = vector.extract %reduce_min3A_142[15] : f32 from vector<16xf32>
      %eq3A_144 = arith.constant 3 : i32
      %eq3A_145 = vector.broadcast %eq3A_144 : i32 to vector<16xi32>
      %eq3A_146 = arith.cmpi eq, %iota3A, %eq3A_145 : vector<16xi32>
      %broadcast_in_dim3A_147 = vector.broadcast %reduce_min3A_143 : f32 to vector<16xf32>
      %select_n3A_148 = arith.select %eq3A_146, %broadcast_in_dim3A_147, %select_n3A_137 : vector<16xi1>, vector<16xf32>
      %get3A_149 = arith.constant 64 : index
      %get3A_150 = tpu.vector_load %arg7[%get3A_149] {strides = array<i32>} : memref<1024xf32, #tpu.memory_space<vmem>>, vector<16xf32>,
      %reduce_min3A_151 = arith.constant true
      %reduce_min3A_152 = vector.broadcast %reduce_min3A_151 : i1 to vector<16xi1>
      %reduce_min3A_153 = tpu.scan <min>, %get3A_150 masked %reduce_min3A_152 : vector<16xf32>, vector<16xi1> -> vector<16xf32>
      %reduce_min3A_154 = vector.extract %reduce_min3A_153[15] : f32 from vector<16xf32>
      %eq3A_155 = arith.constant 4 : i32
      %eq3A_156 = vector.broadcast %eq3A_155 : i32 to vector<16xi32>
      %eq3A_157 = arith.cmpi eq, %iota3A, %eq3A_156 : vector<16xi32>
      %broadcast_in_dim3A_158 = vector.broadcast %reduce_min3A_154 : f32 to vector<16xf32>
      %select_n3A_159 = arith.select %eq3A_157, %broadcast_in_dim3A_158, %select_n3A_148 : vector<16xi1>, vector<16xf32>
      %get3A_160 = arith.constant 80 : index
      %get3A_161 = tpu.vector_load %arg7[%get3A_160] {strides = array<i32>} : memref<1024xf32, #tpu.memory_space<vmem>>, vector<16xf32>,
      %reduce_min3A_162 = arith.constant true
      %reduce_min3A_163 = vector.broadcast %reduce_min3A_162 : i1 to vector<16xi1>
      %reduce_min3A_164 = tpu.scan <min>, %get3A_161 masked %reduce_min3A_163 : vector<16xf32>, vector<16xi1> -> vector<16xf32>
      %reduce_min3A_165 = vector.extract %reduce_min3A_164[15] : f32 from vector<16xf32>
      %eq3A_166 = arith.constant 5 : i32
      %eq3A_167 = vector.broadcast %eq3A_166 : i32 to vector<16xi32>
      %eq3A_168 = arith.cmpi eq, %iota3A, %eq3A_167 : vector<16xi32>
      %broadcast_in_dim3A_169 = vector.broadcast %reduce_min3A_165 : f32 to vector<16xf32>
      %select_n3A_170 = arith.select %eq3A_168, %broadcast_in_dim3A_169, %select_n3A_159 : vector<16xi1>, vector<16xf32>
      %get3A_171 = arith.constant 96 : index
      %get3A_172 = tpu.vector_load %arg7[%get3A_171] {strides = array<i32>} : memref<1024xf32, #tpu.memory_space<vmem>>, vector<16xf32>,
      %reduce_min3A_173 = arith.constant true
      %reduce_min3A_174 = vector.broadcast %reduce_min3A_173 : i1 to vector<16xi1>
      %reduce_min3A_175 = tpu.scan <min>, %get3A_172 masked %reduce_min3A_174 : vector<16xf32>, vector<16xi1> -> vector<16xf32>
      %reduce_min3A_176 = vector.extract %reduce_min3A_175[15] : f32 from vector<16xf32>
      %eq3A_177 = arith.constant 6 : i32
      %eq3A_178 = vector.broadcast %eq3A_177 : i32 to vector<16xi32>
      %eq3A_179 = arith.cmpi eq, %iota3A, %eq3A_178 : vector<16xi32>
      %broadcast_in_dim3A_180 = vector.broadcast %reduce_min3A_176 : f32 to vector<16xf32>
      %select_n3A_181 = arith.select %eq3A_179, %broadcast_in_dim3A_180, %select_n3A_170 : vector<16xi1>, vector<16xf32>
      %get3A_182 = arith.constant 112 : index
      %get3A_183 = tpu.vector_load %arg7[%get3A_182] {strides = array<i32>} : memref<1024xf32, #tpu.memory_space<vmem>>, vector<16xf32>,
      %reduce_min3A_184 = arith.constant true
      %reduce_min3A_185 = vector.broadcast %reduce_min3A_184 : i1 to vector<16xi1>
      %reduce_min3A_186 = tpu.scan <min>, %get3A_183 masked %reduce_min3A_185 : vector<16xf32>, vector<16xi1> -> vector<16xf32>
      %reduce_min3A_187 = vector.extract %reduce_min3A_186[15] : f32 from vector<16xf32>
      %eq3A_188 = arith.constant 7 : i32
      %eq3A_189 = vector.broadcast %eq3A_188 : i32 to vector<16xi32>
      %eq3A_190 = arith.cmpi eq, %iota3A, %eq3A_189 : vector<16xi32>
      %broadcast_in_dim3A_191 = vector.broadcast %reduce_min3A_187 : f32 to vector<16xf32>
      %select_n3A_192 = arith.select %eq3A_190, %broadcast_in_dim3A_191, %select_n3A_181 : vector<16xi1>, vector<16xf32>
      %get3A_193 = arith.constant 128 : index
      %get3A_194 = tpu.vector_load %arg7[%get3A_193] {strides = array<i32>} : memref<1024xf32, #tpu.memory_space<vmem>>, vector<16xf32>,
      %reduce_min3A_195 = arith.constant true
      %reduce_min3A_196 = vector.broadcast %reduce_min3A_195 : i1 to vector<16xi1>
      %reduce_min3A_197 = tpu.scan <min>, %get3A_194 masked %reduce_min3A_196 : vector<16xf32>, vector<16xi1> -> vector<16xf32>
      %reduce_min3A_198 = vector.extract %reduce_min3A_197[15] : f32 from vector<16xf32>
      %eq3A_199 = arith.constant 8 : i32
      %eq3A_200 = vector.broadcast %eq3A_199 : i32 to vector<16xi32>
      %eq3A_201 = arith.cmpi eq, %iota3A, %eq3A_200 : vector<16xi32>
      %broadcast_in_dim3A_202 = vector.broadcast %reduce_min3A_198 : f32 to vector<16xf32>
      %select_n3A_203 = arith.select %eq3A_201, %broadcast_in_dim3A_202, %select_n3A_192 : vector<16xi1>, vector<16xf32>
      %get3A_204 = arith.constant 144 : index
      %get3A_205 = tpu.vector_load %arg7[%get3A_204] {strides = array<i32>} : memref<1024xf32, #tpu.memory_space<vmem>>, vector<16xf32>,
      %reduce_min3A_206 = arith.constant true
      %reduce_min3A_207 = vector.broadcast %reduce_min3A_206 : i1 to vector<16xi1>
      %reduce_min3A_208 = tpu.scan <min>, %get3A_205 masked %reduce_min3A_207 : vector<16xf32>, vector<16xi1> -> vector<16xf32>
      %reduce_min3A_209 = vector.extract %reduce_min3A_208[15] : f32 from vector<16xf32>
      %eq3A_210 = arith.constant 9 : i32
      %eq3A_211 = vector.broadcast %eq3A_210 : i32 to vector<16xi32>
      %eq3A_212 = arith.cmpi eq, %iota3A, %eq3A_211 : vector<16xi32>
      %broadcast_in_dim3A_213 = vector.broadcast %reduce_min3A_209 : f32 to vector<16xf32>
      %select_n3A_214 = arith.select %eq3A_212, %broadcast_in_dim3A_213, %select_n3A_203 : vector<16xi1>, vector<16xf32>
      %get3A_215 = arith.constant 160 : index
      %get3A_216 = tpu.vector_load %arg7[%get3A_215] {strides = array<i32>} : memref<1024xf32, #tpu.memory_space<vmem>>, vector<16xf32>,
      %reduce_min3A_217 = arith.constant true
      %reduce_min3A_218 = vector.broadcast %reduce_min3A_217 : i1 to vector<16xi1>
      %reduce_min3A_219 = tpu.scan <min>, %get3A_216 masked %reduce_min3A_218 : vector<16xf32>, vector<16xi1> -> vector<16xf32>
      %reduce_min3A_220 = vector.extract %reduce_min3A_219[15] : f32 from vector<16xf32>
      %eq3A_221 = arith.constant 10 : i32
      %eq3A_222 = vector.broadcast %eq3A_221 : i32 to vector<16xi32>
      %eq3A_223 = arith.cmpi eq, %iota3A, %eq3A_222 : vector<16xi32>
      %broadcast_in_dim3A_224 = vector.broadcast %reduce_min3A_220 : f32 to vector<16xf32>
      %select_n3A_225 = arith.select %eq3A_223, %broadcast_in_dim3A_224, %select_n3A_214 : vector<16xi1>, vector<16xf32>
      %get3A_226 = arith.constant 176 : index
      %get3A_227 = tpu.vector_load %arg7[%get3A_226] {strides = array<i32>} : memref<1024xf32, #tpu.memory_space<vmem>>, vector<16xf32>,
      %reduce_min3A_228 = arith.constant true
      %reduce_min3A_229 = vector.broadcast %reduce_min3A_228 : i1 to vector<16xi1>
      %reduce_min3A_230 = tpu.scan <min>, %get3A_227 masked %reduce_min3A_229 : vector<16xf32>, vector<16xi1> -> vector<16xf32>
      %reduce_min3A_231 = vector.extract %reduce_min3A_230[15] : f32 from vector<16xf32>
      %eq3A_232 = arith.constant 11 : i32
      %eq3A_233 = vector.broadcast %eq3A_232 : i32 to vector<16xi32>
      %eq3A_234 = arith.cmpi eq, %iota3A, %eq3A_233 : vector<16xi32>
      %broadcast_in_dim3A_235 = vector.broadcast %reduce_min3A_231 : f32 to vector<16xf32>
      %select_n3A_236 = arith.select %eq3A_234, %broadcast_in_dim3A_235, %select_n3A_225 : vector<16xi1>, vector<16xf32>
      %get3A_237 = arith.constant 192 : index
      %get3A_238 = tpu.vector_load %arg7[%get3A_237] {strides = array<i32>} : memref<1024xf32, #tpu.memory_space<vmem>>, vector<16xf32>,
      %reduce_min3A_239 = arith.constant true
      %reduce_min3A_240 = vector.broadcast %reduce_min3A_239 : i1 to vector<16xi1>
      %reduce_min3A_241 = tpu.scan <min>, %get3A_238 masked %reduce_min3A_240 : vector<16xf32>, vector<16xi1> -> vector<16xf32>
      %reduce_min3A_242 = vector.extract %reduce_min3A_241[15] : f32 from vector<16xf32>
      %eq3A_243 = arith.constant 12 : i32
      %eq3A_244 = vector.broadcast %eq3A_243 : i32 to vector<16xi32>
      %eq3A_245 = arith.cmpi eq, %iota3A, %eq3A_244 : vector<16xi32>
      %broadcast_in_dim3A_246 = vector.broadcast %reduce_min3A_242 : f32 to vector<16xf32>
      %select_n3A_247 = arith.select %eq3A_245, %broadcast_in_dim3A_246, %select_n3A_236 : vector<16xi1>, vector<16xf32>
      %get3A_248 = arith.constant 208 : index
      %get3A_249 = tpu.vector_load %arg7[%get3A_248] {strides = array<i32>} : memref<1024xf32, #tpu.memory_space<vmem>>, vector<16xf32>,
      %reduce_min3A_250 = arith.constant true
      %reduce_min3A_251 = vector.broadcast %reduce_min3A_250 : i1 to vector<16xi1>
      %reduce_min3A_252 = tpu.scan <min>, %get3A_249 masked %reduce_min3A_251 : vector<16xf32>, vector<16xi1> -> vector<16xf32>
      %reduce_min3A_253 = vector.extract %reduce_min3A_252[15] : f32 from vector<16xf32>
      %eq3A_254 = arith.constant 13 : i32
      %eq3A_255 = vector.broadcast %eq3A_254 : i32 to vector<16xi32>
      %eq3A_256 = arith.cmpi eq, %iota3A, %eq3A_255 : vector<16xi32>
      %broadcast_in_dim3A_257 = vector.broadcast %reduce_min3A_253 : f32 to vector<16xf32>
      %select_n3A_258 = arith.select %eq3A_256, %broadcast_in_dim3A_257, %select_n3A_247 : vector<16xi1>, vector<16xf32>
      %get3A_259 = arith.constant 224 : index
      %get3A_260 = tpu.vector_load %arg7[%get3A_259] {strides = array<i32>} : memref<1024xf32, #tpu.memory_space<vmem>>, vector<16xf32>,
      %reduce_min3A_261 = arith.constant true
      %reduce_min3A_262 = vector.broadcast %reduce_min3A_261 : i1 to vector<16xi1>
      %reduce_min3A_263 = tpu.scan <min>, %get3A_260 masked %reduce_min3A_262 : vector<16xf32>, vector<16xi1> -> vector<16xf32>
      %reduce_min3A_264 = vector.extract %reduce_min3A_263[15] : f32 from vector<16xf32>
      %eq3A_265 = arith.constant 14 : i32
      %eq3A_266 = vector.broadcast %eq3A_265 : i32 to vector<16xi32>
      %eq3A_267 = arith.cmpi eq, %iota3A, %eq3A_266 : vector<16xi32>
      %broadcast_in_dim3A_268 = vector.broadcast %reduce_min3A_264 : f32 to vector<16xf32>
      %select_n3A_269 = arith.select %eq3A_267, %broadcast_in_dim3A_268, %select_n3A_258 : vector<16xi1>, vector<16xf32>
      %get3A_270 = arith.constant 240 : index
      %get3A_271 = tpu.vector_load %arg7[%get3A_270] {strides = array<i32>} : memref<1024xf32, #tpu.memory_space<vmem>>, vector<16xf32>,
      %reduce_min3A_272 = arith.constant true
      %reduce_min3A_273 = vector.broadcast %reduce_min3A_272 : i1 to vector<16xi1>
      %reduce_min3A_274 = tpu.scan <min>, %get3A_271 masked %reduce_min3A_273 : vector<16xf32>, vector<16xi1> -> vector<16xf32>
      %reduce_min3A_275 = vector.extract %reduce_min3A_274[15] : f32 from vector<16xf32>
      %eq3A_276 = arith.constant 15 : i32
      %eq3A_277 = vector.broadcast %eq3A_276 : i32 to vector<16xi32>
      %eq3A_278 = arith.cmpi eq, %iota3A, %eq3A_277 : vector<16xi32>
      %broadcast_in_dim3A_279 = vector.broadcast %reduce_min3A_275 : f32 to vector<16xf32>
      %select_n3A_280 = arith.select %eq3A_278, %broadcast_in_dim3A_279, %select_n3A_269 : vector<16xi1>, vector<16xf32>
      %swap3A_281 = arith.constant 0 : index
      %swap3A_282 = tpu.vector_load %arg8[%swap3A_281] {strides = array<i32>} : memref<64xf32, #tpu.memory_space<vmem>>, vector<16xf32>,
      tpu.vector_store %arg8[%swap3A_281], %select_n3A_280 {strides = array<i32>} : memref<64xf32, #tpu.memory_space<vmem>>, vector<16xf32>,
      %broadcast_in_dim3A_283 = arith.constant 1.000000e+30 : f32
      %broadcast_in_dim3A_284 = vector.broadcast %broadcast_in_dim3A_283 : f32 to vector<16xf32>
      %get3A_285 = arith.constant 256 : index
      %get3A_286 = tpu.vector_load %arg7[%get3A_285] {strides = array<i32>} : memref<1024xf32, #tpu.memory_space<vmem>>, vector<16xf32>,
      %reduce_min3A_287 = arith.constant true
      %reduce_min3A_288 = vector.broadcast %reduce_min3A_287 : i1 to vector<16xi1>
      %reduce_min3A_289 = tpu.scan <min>, %get3A_286 masked %reduce_min3A_288 : vector<16xf32>, vector<16xi1> -> vector<16xf32>
      %reduce_min3A_290 = vector.extract %reduce_min3A_289[15] : f32 from vector<16xf32>
      %eq3A_291 = arith.constant 0 : i32
      %eq3A_292 = vector.broadcast %eq3A_291 : i32 to vector<16xi32>
      %eq3A_293 = arith.cmpi eq, %iota3A, %eq3A_292 : vector<16xi32>
      %broadcast_in_dim3A_294 = vector.broadcast %reduce_min3A_290 : f32 to vector<16xf32>
      %select_n3A_295 = arith.select %eq3A_293, %broadcast_in_dim3A_294, %broadcast_in_dim3A_284 : vector<16xi1>, vector<16xf32>
      %get3A_296 = arith.constant 272 : index
      %get3A_297 = tpu.vector_load %arg7[%get3A_296] {strides = array<i32>} : memref<1024xf32, #tpu.memory_space<vmem>>, vector<16xf32>,
      %reduce_min3A_298 = arith.constant true
      %reduce_min3A_299 = vector.broadcast %reduce_min3A_298 : i1 to vector<16xi1>
      %reduce_min3A_300 = tpu.scan <min>, %get3A_297 masked %reduce_min3A_299 : vector<16xf32>, vector<16xi1> -> vector<16xf32>
      %reduce_min3A_301 = vector.extract %reduce_min3A_300[15] : f32 from vector<16xf32>
      %eq3A_302 = arith.constant 1 : i32
      %eq3A_303 = vector.broadcast %eq3A_302 : i32 to vector<16xi32>
      %eq3A_304 = arith.cmpi eq, %iota3A, %eq3A_303 : vector<16xi32>
      %broadcast_in_dim3A_305 = vector.broadcast %reduce_min3A_301 : f32 to vector<16xf32>
      %select_n3A_306 = arith.select %eq3A_304, %broadcast_in_dim3A_305, %select_n3A_295 : vector<16xi1>, vector<16xf32>
      %get3A_307 = arith.constant 288 : index
      %get3A_308 = tpu.vector_load %arg7[%get3A_307] {strides = array<i32>} : memref<1024xf32, #tpu.memory_space<vmem>>, vector<16xf32>,
      %reduce_min3A_309 = arith.constant true
      %reduce_min3A_310 = vector.broadcast %reduce_min3A_309 : i1 to vector<16xi1>
      %reduce_min3A_311 = tpu.scan <min>, %get3A_308 masked %reduce_min3A_310 : vector<16xf32>, vector<16xi1> -> vector<16xf32>
      %reduce_min3A_312 = vector.extract %reduce_min3A_311[15] : f32 from vector<16xf32>
      %eq3A_313 = arith.constant 2 : i32
      %eq3A_314 = vector.broadcast %eq3A_313 : i32 to vector<16xi32>
      %eq3A_315 = arith.cmpi eq, %iota3A, %eq3A_314 : vector<16xi32>
      %broadcast_in_dim3A_316 = vector.broadcast %reduce_min3A_312 : f32 to vector<16xf32>
      %select_n3A_317 = arith.select %eq3A_315, %broadcast_in_dim3A_316, %select_n3A_306 : vector<16xi1>, vector<16xf32>
      %get3A_318 = arith.constant 304 : index
      %get3A_319 = tpu.vector_load %arg7[%get3A_318] {strides = array<i32>} : memref<1024xf32, #tpu.memory_space<vmem>>, vector<16xf32>,
      %reduce_min3A_320 = arith.constant true
      %reduce_min3A_321 = vector.broadcast %reduce_min3A_320 : i1 to vector<16xi1>
      %reduce_min3A_322 = tpu.scan <min>, %get3A_319 masked %reduce_min3A_321 : vector<16xf32>, vector<16xi1> -> vector<16xf32>
      %reduce_min3A_323 = vector.extract %reduce_min3A_322[15] : f32 from vector<16xf32>
      %eq3A_324 = arith.constant 3 : i32
      %eq3A_325 = vector.broadcast %eq3A_324 : i32 to vector<16xi32>
      %eq3A_326 = arith.cmpi eq, %iota3A, %eq3A_325 : vector<16xi32>
      %broadcast_in_dim3A_327 = vector.broadcast %reduce_min3A_323 : f32 to vector<16xf32>
      %select_n3A_328 = arith.select %eq3A_326, %broadcast_in_dim3A_327, %select_n3A_317 : vector<16xi1>, vector<16xf32>
      %get3A_329 = arith.constant 320 : index
      %get3A_330 = tpu.vector_load %arg7[%get3A_329] {strides = array<i32>} : memref<1024xf32, #tpu.memory_space<vmem>>, vector<16xf32>,
      %reduce_min3A_331 = arith.constant true
      %reduce_min3A_332 = vector.broadcast %reduce_min3A_331 : i1 to vector<16xi1>
      %reduce_min3A_333 = tpu.scan <min>, %get3A_330 masked %reduce_min3A_332 : vector<16xf32>, vector<16xi1> -> vector<16xf32>
      %reduce_min3A_334 = vector.extract %reduce_min3A_333[15] : f32 from vector<16xf32>
      %eq3A_335 = arith.constant 4 : i32
      %eq3A_336 = vector.broadcast %eq3A_335 : i32 to vector<16xi32>
      %eq3A_337 = arith.cmpi eq, %iota3A, %eq3A_336 : vector<16xi32>
      %broadcast_in_dim3A_338 = vector.broadcast %reduce_min3A_334 : f32 to vector<16xf32>
      %select_n3A_339 = arith.select %eq3A_337, %broadcast_in_dim3A_338, %select_n3A_328 : vector<16xi1>, vector<16xf32>
      %get3A_340 = arith.constant 336 : index
      %get3A_341 = tpu.vector_load %arg7[%get3A_340] {strides = array<i32>} : memref<1024xf32, #tpu.memory_space<vmem>>, vector<16xf32>,
      %reduce_min3A_342 = arith.constant true
      %reduce_min3A_343 = vector.broadcast %reduce_min3A_342 : i1 to vector<16xi1>
      %reduce_min3A_344 = tpu.scan <min>, %get3A_341 masked %reduce_min3A_343 : vector<16xf32>, vector<16xi1> -> vector<16xf32>
      %reduce_min3A_345 = vector.extract %reduce_min3A_344[15] : f32 from vector<16xf32>
      %eq3A_346 = arith.constant 5 : i32
      %eq3A_347 = vector.broadcast %eq3A_346 : i32 to vector<16xi32>
      %eq3A_348 = arith.cmpi eq, %iota3A, %eq3A_347 : vector<16xi32>
      %broadcast_in_dim3A_349 = vector.broadcast %reduce_min3A_345 : f32 to vector<16xf32>
      %select_n3A_350 = arith.select %eq3A_348, %broadcast_in_dim3A_349, %select_n3A_339 : vector<16xi1>, vector<16xf32>
      %get3A_351 = arith.constant 352 : index
      %get3A_352 = tpu.vector_load %arg7[%get3A_351] {strides = array<i32>} : memref<1024xf32, #tpu.memory_space<vmem>>, vector<16xf32>,
      %reduce_min3A_353 = arith.constant true
      %reduce_min3A_354 = vector.broadcast %reduce_min3A_353 : i1 to vector<16xi1>
      %reduce_min3A_355 = tpu.scan <min>, %get3A_352 masked %reduce_min3A_354 : vector<16xf32>, vector<16xi1> -> vector<16xf32>
      %reduce_min3A_356 = vector.extract %reduce_min3A_355[15] : f32 from vector<16xf32>
      %eq3A_357 = arith.constant 6 : i32
      %eq3A_358 = vector.broadcast %eq3A_357 : i32 to vector<16xi32>
      %eq3A_359 = arith.cmpi eq, %iota3A, %eq3A_358 : vector<16xi32>
      %broadcast_in_dim3A_360 = vector.broadcast %reduce_min3A_356 : f32 to vector<16xf32>
      %select_n3A_361 = arith.select %eq3A_359, %broadcast_in_dim3A_360, %select_n3A_350 : vector<16xi1>, vector<16xf32>
      %get3A_362 = arith.constant 368 : index
      %get3A_363 = tpu.vector_load %arg7[%get3A_362] {strides = array<i32>} : memref<1024xf32, #tpu.memory_space<vmem>>, vector<16xf32>,
      %reduce_min3A_364 = arith.constant true
      %reduce_min3A_365 = vector.broadcast %reduce_min3A_364 : i1 to vector<16xi1>
      %reduce_min3A_366 = tpu.scan <min>, %get3A_363 masked %reduce_min3A_365 : vector<16xf32>, vector<16xi1> -> vector<16xf32>
      %reduce_min3A_367 = vector.extract %reduce_min3A_366[15] : f32 from vector<16xf32>
      %eq3A_368 = arith.constant 7 : i32
      %eq3A_369 = vector.broadcast %eq3A_368 : i32 to vector<16xi32>
      %eq3A_370 = arith.cmpi eq, %iota3A, %eq3A_369 : vector<16xi32>
      %broadcast_in_dim3A_371 = vector.broadcast %reduce_min3A_367 : f32 to vector<16xf32>
      %select_n3A_372 = arith.select %eq3A_370, %broadcast_in_dim3A_371, %select_n3A_361 : vector<16xi1>, vector<16xf32>
      %get3A_373 = arith.constant 384 : index
      %get3A_374 = tpu.vector_load %arg7[%get3A_373] {strides = array<i32>} : memref<1024xf32, #tpu.memory_space<vmem>>, vector<16xf32>,
      %reduce_min3A_375 = arith.constant true
      %reduce_min3A_376 = vector.broadcast %reduce_min3A_375 : i1 to vector<16xi1>
      %reduce_min3A_377 = tpu.scan <min>, %get3A_374 masked %reduce_min3A_376 : vector<16xf32>, vector<16xi1> -> vector<16xf32>
      %reduce_min3A_378 = vector.extract %reduce_min3A_377[15] : f32 from vector<16xf32>
      %eq3A_379 = arith.constant 8 : i32
      %eq3A_380 = vector.broadcast %eq3A_379 : i32 to vector<16xi32>
      %eq3A_381 = arith.cmpi eq, %iota3A, %eq3A_380 : vector<16xi32>
      %broadcast_in_dim3A_382 = vector.broadcast %reduce_min3A_378 : f32 to vector<16xf32>
      %select_n3A_383 = arith.select %eq3A_381, %broadcast_in_dim3A_382, %select_n3A_372 : vector<16xi1>, vector<16xf32>
      %get3A_384 = arith.constant 400 : index
      %get3A_385 = tpu.vector_load %arg7[%get3A_384] {strides = array<i32>} : memref<1024xf32, #tpu.memory_space<vmem>>, vector<16xf32>,
      %reduce_min3A_386 = arith.constant true
      %reduce_min3A_387 = vector.broadcast %reduce_min3A_386 : i1 to vector<16xi1>
      %reduce_min3A_388 = tpu.scan <min>, %get3A_385 masked %reduce_min3A_387 : vector<16xf32>, vector<16xi1> -> vector<16xf32>
      %reduce_min3A_389 = vector.extract %reduce_min3A_388[15] : f32 from vector<16xf32>
      %eq3A_390 = arith.constant 9 : i32
      %eq3A_391 = vector.broadcast %eq3A_390 : i32 to vector<16xi32>
      %eq3A_392 = arith.cmpi eq, %iota3A, %eq3A_391 : vector<16xi32>
      %broadcast_in_dim3A_393 = vector.broadcast %reduce_min3A_389 : f32 to vector<16xf32>
      %select_n3A_394 = arith.select %eq3A_392, %broadcast_in_dim3A_393, %select_n3A_383 : vector<16xi1>, vector<16xf32>
      %get3A_395 = arith.constant 416 : index
      %get3A_396 = tpu.vector_load %arg7[%get3A_395] {strides = array<i32>} : memref<1024xf32, #tpu.memory_space<vmem>>, vector<16xf32>,
      %reduce_min3A_397 = arith.constant true
      %reduce_min3A_398 = vector.broadcast %reduce_min3A_397 : i1 to vector<16xi1>
      %reduce_min3A_399 = tpu.scan <min>, %get3A_396 masked %reduce_min3A_398 : vector<16xf32>, vector<16xi1> -> vector<16xf32>
      %reduce_min3A_400 = vector.extract %reduce_min3A_399[15] : f32 from vector<16xf32>
      %eq3A_401 = arith.constant 10 : i32
      %eq3A_402 = vector.broadcast %eq3A_401 : i32 to vector<16xi32>
      %eq3A_403 = arith.cmpi eq, %iota3A, %eq3A_402 : vector<16xi32>
      %broadcast_in_dim3A_404 = vector.broadcast %reduce_min3A_400 : f32 to vector<16xf32>
      %select_n3A_405 = arith.select %eq3A_403, %broadcast_in_dim3A_404, %select_n3A_394 : vector<16xi1>, vector<16xf32>
      %get3A_406 = arith.constant 432 : index
      %get3A_407 = tpu.vector_load %arg7[%get3A_406] {strides = array<i32>} : memref<1024xf32, #tpu.memory_space<vmem>>, vector<16xf32>,
      %reduce_min3A_408 = arith.constant true
      %reduce_min3A_409 = vector.broadcast %reduce_min3A_408 : i1 to vector<16xi1>
      %reduce_min3A_410 = tpu.scan <min>, %get3A_407 masked %reduce_min3A_409 : vector<16xf32>, vector<16xi1> -> vector<16xf32>
      %reduce_min3A_411 = vector.extract %reduce_min3A_410[15] : f32 from vector<16xf32>
      %eq3A_412 = arith.constant 11 : i32
      %eq3A_413 = vector.broadcast %eq3A_412 : i32 to vector<16xi32>
      %eq3A_414 = arith.cmpi eq, %iota3A, %eq3A_413 : vector<16xi32>
      %broadcast_in_dim3A_415 = vector.broadcast %reduce_min3A_411 : f32 to vector<16xf32>
      %select_n3A_416 = arith.select %eq3A_414, %broadcast_in_dim3A_415, %select_n3A_405 : vector<16xi1>, vector<16xf32>
      %get3A_417 = arith.constant 448 : index
      %get3A_418 = tpu.vector_load %arg7[%get3A_417] {strides = array<i32>} : memref<1024xf32, #tpu.memory_space<vmem>>, vector<16xf32>,
      %reduce_min3A_419 = arith.constant true
      %reduce_min3A_420 = vector.broadcast %reduce_min3A_419 : i1 to vector<16xi1>
      %reduce_min3A_421 = tpu.scan <min>, %get3A_418 masked %reduce_min3A_420 : vector<16xf32>, vector<16xi1> -> vector<16xf32>
      %reduce_min3A_422 = vector.extract %reduce_min3A_421[15] : f32 from vector<16xf32>
      %eq3A_423 = arith.constant 12 : i32
      %eq3A_424 = vector.broadcast %eq3A_423 : i32 to vector<16xi32>
      %eq3A_425 = arith.cmpi eq, %iota3A, %eq3A_424 : vector<16xi32>
      %broadcast_in_dim3A_426 = vector.broadcast %reduce_min3A_422 : f32 to vector<16xf32>
      %select_n3A_427 = arith.select %eq3A_425, %broadcast_in_dim3A_426, %select_n3A_416 : vector<16xi1>, vector<16xf32>
      %get3A_428 = arith.constant 464 : index
      %get3A_429 = tpu.vector_load %arg7[%get3A_428] {strides = array<i32>} : memref<1024xf32, #tpu.memory_space<vmem>>, vector<16xf32>,
      %reduce_min3A_430 = arith.constant true
      %reduce_min3A_431 = vector.broadcast %reduce_min3A_430 : i1 to vector<16xi1>
      %reduce_min3A_432 = tpu.scan <min>, %get3A_429 masked %reduce_min3A_431 : vector<16xf32>, vector<16xi1> -> vector<16xf32>
      %reduce_min3A_433 = vector.extract %reduce_min3A_432[15] : f32 from vector<16xf32>
      %eq3A_434 = arith.constant 13 : i32
      %eq3A_435 = vector.broadcast %eq3A_434 : i32 to vector<16xi32>
      %eq3A_436 = arith.cmpi eq, %iota3A, %eq3A_435 : vector<16xi32>
      %broadcast_in_dim3A_437 = vector.broadcast %reduce_min3A_433 : f32 to vector<16xf32>
      %select_n3A_438 = arith.select %eq3A_436, %broadcast_in_dim3A_437, %select_n3A_427 : vector<16xi1>, vector<16xf32>
      %get3A_439 = arith.constant 480 : index
      %get3A_440 = tpu.vector_load %arg7[%get3A_439] {strides = array<i32>} : memref<1024xf32, #tpu.memory_space<vmem>>, vector<16xf32>,
      %reduce_min3A_441 = arith.constant true
      %reduce_min3A_442 = vector.broadcast %reduce_min3A_441 : i1 to vector<16xi1>
      %reduce_min3A_443 = tpu.scan <min>, %get3A_440 masked %reduce_min3A_442 : vector<16xf32>, vector<16xi1> -> vector<16xf32>
      %reduce_min3A_444 = vector.extract %reduce_min3A_443[15] : f32 from vector<16xf32>
      %eq3A_445 = arith.constant 14 : i32
      %eq3A_446 = vector.broadcast %eq3A_445 : i32 to vector<16xi32>
      %eq3A_447 = arith.cmpi eq, %iota3A, %eq3A_446 : vector<16xi32>
      %broadcast_in_dim3A_448 = vector.broadcast %reduce_min3A_444 : f32 to vector<16xf32>
      %select_n3A_449 = arith.select %eq3A_447, %broadcast_in_dim3A_448, %select_n3A_438 : vector<16xi1>, vector<16xf32>
      %get3A_450 = arith.constant 496 : index
      %get3A_451 = tpu.vector_load %arg7[%get3A_450] {strides = array<i32>} : memref<1024xf32, #tpu.memory_space<vmem>>, vector<16xf32>,
      %reduce_min3A_452 = arith.constant true
      %reduce_min3A_453 = vector.broadcast %reduce_min3A_452 : i1 to vector<16xi1>
      %reduce_min3A_454 = tpu.scan <min>, %get3A_451 masked %reduce_min3A_453 : vector<16xf32>, vector<16xi1> -> vector<16xf32>
      %reduce_min3A_455 = vector.extract %reduce_min3A_454[15] : f32 from vector<16xf32>
      %eq3A_456 = arith.constant 15 : i32
      %eq3A_457 = vector.broadcast %eq3A_456 : i32 to vector<16xi32>
      %eq3A_458 = arith.cmpi eq, %iota3A, %eq3A_457 : vector<16xi32>
      %broadcast_in_dim3A_459 = vector.broadcast %reduce_min3A_455 : f32 to vector<16xf32>
      %select_n3A_460 = arith.select %eq3A_458, %broadcast_in_dim3A_459, %select_n3A_449 : vector<16xi1>, vector<16xf32>
      %swap3A_461 = arith.constant 16 : index
      %swap3A_462 = tpu.vector_load %arg8[%swap3A_461] {strides = array<i32>} : memref<64xf32, #tpu.memory_space<vmem>>, vector<16xf32>,
      tpu.vector_store %arg8[%swap3A_461], %select_n3A_460 {strides = array<i32>} : memref<64xf32, #tpu.memory_space<vmem>>, vector<16xf32>,
      %broadcast_in_dim3A_463 = arith.constant 1.000000e+30 : f32
      %broadcast_in_dim3A_464 = vector.broadcast %broadcast_in_dim3A_463 : f32 to vector<16xf32>
      %get3A_465 = arith.constant 512 : index
      %get3A_466 = tpu.vector_load %arg7[%get3A_465] {strides = array<i32>} : memref<1024xf32, #tpu.memory_space<vmem>>, vector<16xf32>,
      %reduce_min3A_467 = arith.constant true
      %reduce_min3A_468 = vector.broadcast %reduce_min3A_467 : i1 to vector<16xi1>
      %reduce_min3A_469 = tpu.scan <min>, %get3A_466 masked %reduce_min3A_468 : vector<16xf32>, vector<16xi1> -> vector<16xf32>
      %reduce_min3A_470 = vector.extract %reduce_min3A_469[15] : f32 from vector<16xf32>
      %eq3A_471 = arith.constant 0 : i32
      %eq3A_472 = vector.broadcast %eq3A_471 : i32 to vector<16xi32>
      %eq3A_473 = arith.cmpi eq, %iota3A, %eq3A_472 : vector<16xi32>
      %broadcast_in_dim3A_474 = vector.broadcast %reduce_min3A_470 : f32 to vector<16xf32>
      %select_n3A_475 = arith.select %eq3A_473, %broadcast_in_dim3A_474, %broadcast_in_dim3A_464 : vector<16xi1>, vector<16xf32>
      %get3A_476 = arith.constant 528 : index
      %get3A_477 = tpu.vector_load %arg7[%get3A_476] {strides = array<i32>} : memref<1024xf32, #tpu.memory_space<vmem>>, vector<16xf32>,
      %reduce_min3A_478 = arith.constant true
      %reduce_min3A_479 = vector.broadcast %reduce_min3A_478 : i1 to vector<16xi1>
      %reduce_min3A_480 = tpu.scan <min>, %get3A_477 masked %reduce_min3A_479 : vector<16xf32>, vector<16xi1> -> vector<16xf32>
      %reduce_min3A_481 = vector.extract %reduce_min3A_480[15] : f32 from vector<16xf32>
      %eq3A_482 = arith.constant 1 : i32
      %eq3A_483 = vector.broadcast %eq3A_482 : i32 to vector<16xi32>
      %eq3A_484 = arith.cmpi eq, %iota3A, %eq3A_483 : vector<16xi32>
      %broadcast_in_dim3A_485 = vector.broadcast %reduce_min3A_481 : f32 to vector<16xf32>
      %select_n3A_486 = arith.select %eq3A_484, %broadcast_in_dim3A_485, %select_n3A_475 : vector<16xi1>, vector<16xf32>
      %get3A_487 = arith.constant 544 : index
      %get3A_488 = tpu.vector_load %arg7[%get3A_487] {strides = array<i32>} : memref<1024xf32, #tpu.memory_space<vmem>>, vector<16xf32>,
      %reduce_min3A_489 = arith.constant true
      %reduce_min3A_490 = vector.broadcast %reduce_min3A_489 : i1 to vector<16xi1>
      %reduce_min3A_491 = tpu.scan <min>, %get3A_488 masked %reduce_min3A_490 : vector<16xf32>, vector<16xi1> -> vector<16xf32>
      %reduce_min3A_492 = vector.extract %reduce_min3A_491[15] : f32 from vector<16xf32>
      %eq3A_493 = arith.constant 2 : i32
      %eq3A_494 = vector.broadcast %eq3A_493 : i32 to vector<16xi32>
      %eq3A_495 = arith.cmpi eq, %iota3A, %eq3A_494 : vector<16xi32>
      %broadcast_in_dim3A_496 = vector.broadcast %reduce_min3A_492 : f32 to vector<16xf32>
      %select_n3A_497 = arith.select %eq3A_495, %broadcast_in_dim3A_496, %select_n3A_486 : vector<16xi1>, vector<16xf32>
      %get3A_498 = arith.constant 560 : index
      %get3A_499 = tpu.vector_load %arg7[%get3A_498] {strides = array<i32>} : memref<1024xf32, #tpu.memory_space<vmem>>, vector<16xf32>,
      %reduce_min3A_500 = arith.constant true
      %reduce_min3A_501 = vector.broadcast %reduce_min3A_500 : i1 to vector<16xi1>
      %reduce_min3A_502 = tpu.scan <min>, %get3A_499 masked %reduce_min3A_501 : vector<16xf32>, vector<16xi1> -> vector<16xf32>
      %reduce_min3A_503 = vector.extract %reduce_min3A_502[15] : f32 from vector<16xf32>
      %eq3A_504 = arith.constant 3 : i32
      %eq3A_505 = vector.broadcast %eq3A_504 : i32 to vector<16xi32>
      %eq3A_506 = arith.cmpi eq, %iota3A, %eq3A_505 : vector<16xi32>
      %broadcast_in_dim3A_507 = vector.broadcast %reduce_min3A_503 : f32 to vector<16xf32>
      %select_n3A_508 = arith.select %eq3A_506, %broadcast_in_dim3A_507, %select_n3A_497 : vector<16xi1>, vector<16xf32>
      %get3A_509 = arith.constant 576 : index
      %get3A_510 = tpu.vector_load %arg7[%get3A_509] {strides = array<i32>} : memref<1024xf32, #tpu.memory_space<vmem>>, vector<16xf32>,
      %reduce_min3A_511 = arith.constant true
      %reduce_min3A_512 = vector.broadcast %reduce_min3A_511 : i1 to vector<16xi1>
      %reduce_min3A_513 = tpu.scan <min>, %get3A_510 masked %reduce_min3A_512 : vector<16xf32>, vector<16xi1> -> vector<16xf32>
      %reduce_min3A_514 = vector.extract %reduce_min3A_513[15] : f32 from vector<16xf32>
      %eq3A_515 = arith.constant 4 : i32
      %eq3A_516 = vector.broadcast %eq3A_515 : i32 to vector<16xi32>
      %eq3A_517 = arith.cmpi eq, %iota3A, %eq3A_516 : vector<16xi32>
      %broadcast_in_dim3A_518 = vector.broadcast %reduce_min3A_514 : f32 to vector<16xf32>
      %select_n3A_519 = arith.select %eq3A_517, %broadcast_in_dim3A_518, %select_n3A_508 : vector<16xi1>, vector<16xf32>
      %get3A_520 = arith.constant 592 : index
      %get3A_521 = tpu.vector_load %arg7[%get3A_520] {strides = array<i32>} : memref<1024xf32, #tpu.memory_space<vmem>>, vector<16xf32>,
      %reduce_min3A_522 = arith.constant true
      %reduce_min3A_523 = vector.broadcast %reduce_min3A_522 : i1 to vector<16xi1>
      %reduce_min3A_524 = tpu.scan <min>, %get3A_521 masked %reduce_min3A_523 : vector<16xf32>, vector<16xi1> -> vector<16xf32>
      %reduce_min3A_525 = vector.extract %reduce_min3A_524[15] : f32 from vector<16xf32>
      %eq3A_526 = arith.constant 5 : i32
      %eq3A_527 = vector.broadcast %eq3A_526 : i32 to vector<16xi32>
      %eq3A_528 = arith.cmpi eq, %iota3A, %eq3A_527 : vector<16xi32>
      %broadcast_in_dim3A_529 = vector.broadcast %reduce_min3A_525 : f32 to vector<16xf32>
      %select_n3A_530 = arith.select %eq3A_528, %broadcast_in_dim3A_529, %select_n3A_519 : vector<16xi1>, vector<16xf32>
      %get3A_531 = arith.constant 608 : index
      %get3A_532 = tpu.vector_load %arg7[%get3A_531] {strides = array<i32>} : memref<1024xf32, #tpu.memory_space<vmem>>, vector<16xf32>,
      %reduce_min3A_533 = arith.constant true
      %reduce_min3A_534 = vector.broadcast %reduce_min3A_533 : i1 to vector<16xi1>
      %reduce_min3A_535 = tpu.scan <min>, %get3A_532 masked %reduce_min3A_534 : vector<16xf32>, vector<16xi1> -> vector<16xf32>
      %reduce_min3A_536 = vector.extract %reduce_min3A_535[15] : f32 from vector<16xf32>
      %eq3A_537 = arith.constant 6 : i32
      %eq3A_538 = vector.broadcast %eq3A_537 : i32 to vector<16xi32>
      %eq3A_539 = arith.cmpi eq, %iota3A, %eq3A_538 : vector<16xi32>
      %broadcast_in_dim3A_540 = vector.broadcast %reduce_min3A_536 : f32 to vector<16xf32>
      %select_n3A_541 = arith.select %eq3A_539, %broadcast_in_dim3A_540, %select_n3A_530 : vector<16xi1>, vector<16xf32>
      %get3A_542 = arith.constant 624 : index
      %get3A_543 = tpu.vector_load %arg7[%get3A_542] {strides = array<i32>} : memref<1024xf32, #tpu.memory_space<vmem>>, vector<16xf32>,
      %reduce_min3A_544 = arith.constant true
      %reduce_min3A_545 = vector.broadcast %reduce_min3A_544 : i1 to vector<16xi1>
      %reduce_min3A_546 = tpu.scan <min>, %get3A_543 masked %reduce_min3A_545 : vector<16xf32>, vector<16xi1> -> vector<16xf32>
      %reduce_min3A_547 = vector.extract %reduce_min3A_546[15] : f32 from vector<16xf32>
      %eq3A_548 = arith.constant 7 : i32
      %eq3A_549 = vector.broadcast %eq3A_548 : i32 to vector<16xi32>
      %eq3A_550 = arith.cmpi eq, %iota3A, %eq3A_549 : vector<16xi32>
      %broadcast_in_dim3A_551 = vector.broadcast %reduce_min3A_547 : f32 to vector<16xf32>
      %select_n3A_552 = arith.select %eq3A_550, %broadcast_in_dim3A_551, %select_n3A_541 : vector<16xi1>, vector<16xf32>
      %get3A_553 = arith.constant 640 : index
      %get3A_554 = tpu.vector_load %arg7[%get3A_553] {strides = array<i32>} : memref<1024xf32, #tpu.memory_space<vmem>>, vector<16xf32>,
      %reduce_min3A_555 = arith.constant true
      %reduce_min3A_556 = vector.broadcast %reduce_min3A_555 : i1 to vector<16xi1>
      %reduce_min3A_557 = tpu.scan <min>, %get3A_554 masked %reduce_min3A_556 : vector<16xf32>, vector<16xi1> -> vector<16xf32>
      %reduce_min3A_558 = vector.extract %reduce_min3A_557[15] : f32 from vector<16xf32>
      %eq3A_559 = arith.constant 8 : i32
      %eq3A_560 = vector.broadcast %eq3A_559 : i32 to vector<16xi32>
      %eq3A_561 = arith.cmpi eq, %iota3A, %eq3A_560 : vector<16xi32>
      %broadcast_in_dim3A_562 = vector.broadcast %reduce_min3A_558 : f32 to vector<16xf32>
      %select_n3A_563 = arith.select %eq3A_561, %broadcast_in_dim3A_562, %select_n3A_552 : vector<16xi1>, vector<16xf32>
      %get3A_564 = arith.constant 656 : index
      %get3A_565 = tpu.vector_load %arg7[%get3A_564] {strides = array<i32>} : memref<1024xf32, #tpu.memory_space<vmem>>, vector<16xf32>,
      %reduce_min3A_566 = arith.constant true
      %reduce_min3A_567 = vector.broadcast %reduce_min3A_566 : i1 to vector<16xi1>
      %reduce_min3A_568 = tpu.scan <min>, %get3A_565 masked %reduce_min3A_567 : vector<16xf32>, vector<16xi1> -> vector<16xf32>
      %reduce_min3A_569 = vector.extract %reduce_min3A_568[15] : f32 from vector<16xf32>
      %eq3A_570 = arith.constant 9 : i32
      %eq3A_571 = vector.broadcast %eq3A_570 : i32 to vector<16xi32>
      %eq3A_572 = arith.cmpi eq, %iota3A, %eq3A_571 : vector<16xi32>
      %broadcast_in_dim3A_573 = vector.broadcast %reduce_min3A_569 : f32 to vector<16xf32>
      %select_n3A_574 = arith.select %eq3A_572, %broadcast_in_dim3A_573, %select_n3A_563 : vector<16xi1>, vector<16xf32>
      %get3A_575 = arith.constant 672 : index
      %get3A_576 = tpu.vector_load %arg7[%get3A_575] {strides = array<i32>} : memref<1024xf32, #tpu.memory_space<vmem>>, vector<16xf32>,
      %reduce_min3A_577 = arith.constant true
      %reduce_min3A_578 = vector.broadcast %reduce_min3A_577 : i1 to vector<16xi1>
      %reduce_min3A_579 = tpu.scan <min>, %get3A_576 masked %reduce_min3A_578 : vector<16xf32>, vector<16xi1> -> vector<16xf32>
      %reduce_min3A_580 = vector.extract %reduce_min3A_579[15] : f32 from vector<16xf32>
      %eq3A_581 = arith.constant 10 : i32
      %eq3A_582 = vector.broadcast %eq3A_581 : i32 to vector<16xi32>
      %eq3A_583 = arith.cmpi eq, %iota3A, %eq3A_582 : vector<16xi32>
      %broadcast_in_dim3A_584 = vector.broadcast %reduce_min3A_580 : f32 to vector<16xf32>
      %select_n3A_585 = arith.select %eq3A_583, %broadcast_in_dim3A_584, %select_n3A_574 : vector<16xi1>, vector<16xf32>
      %get3A_586 = arith.constant 688 : index
      %get3A_587 = tpu.vector_load %arg7[%get3A_586] {strides = array<i32>} : memref<1024xf32, #tpu.memory_space<vmem>>, vector<16xf32>,
      %reduce_min3A_588 = arith.constant true
      %reduce_min3A_589 = vector.broadcast %reduce_min3A_588 : i1 to vector<16xi1>
      %reduce_min3A_590 = tpu.scan <min>, %get3A_587 masked %reduce_min3A_589 : vector<16xf32>, vector<16xi1> -> vector<16xf32>
      %reduce_min3A_591 = vector.extract %reduce_min3A_590[15] : f32 from vector<16xf32>
      %eq3A_592 = arith.constant 11 : i32
      %eq3A_593 = vector.broadcast %eq3A_592 : i32 to vector<16xi32>
      %eq3A_594 = arith.cmpi eq, %iota3A, %eq3A_593 : vector<16xi32>
      %broadcast_in_dim3A_595 = vector.broadcast %reduce_min3A_591 : f32 to vector<16xf32>
      %select_n3A_596 = arith.select %eq3A_594, %broadcast_in_dim3A_595, %select_n3A_585 : vector<16xi1>, vector<16xf32>
      %get3A_597 = arith.constant 704 : index
      %get3A_598 = tpu.vector_load %arg7[%get3A_597] {strides = array<i32>} : memref<1024xf32, #tpu.memory_space<vmem>>, vector<16xf32>,
      %reduce_min3A_599 = arith.constant true
      %reduce_min3A_600 = vector.broadcast %reduce_min3A_599 : i1 to vector<16xi1>
      %reduce_min3A_601 = tpu.scan <min>, %get3A_598 masked %reduce_min3A_600 : vector<16xf32>, vector<16xi1> -> vector<16xf32>
      %reduce_min3A_602 = vector.extract %reduce_min3A_601[15] : f32 from vector<16xf32>
      %eq3A_603 = arith.constant 12 : i32
      %eq3A_604 = vector.broadcast %eq3A_603 : i32 to vector<16xi32>
      %eq3A_605 = arith.cmpi eq, %iota3A, %eq3A_604 : vector<16xi32>
      %broadcast_in_dim3A_606 = vector.broadcast %reduce_min3A_602 : f32 to vector<16xf32>
      %select_n3A_607 = arith.select %eq3A_605, %broadcast_in_dim3A_606, %select_n3A_596 : vector<16xi1>, vector<16xf32>
      %get3A_608 = arith.constant 720 : index
      %get3A_609 = tpu.vector_load %arg7[%get3A_608] {strides = array<i32>} : memref<1024xf32, #tpu.memory_space<vmem>>, vector<16xf32>,
      %reduce_min3A_610 = arith.constant true
      %reduce_min3A_611 = vector.broadcast %reduce_min3A_610 : i1 to vector<16xi1>
      %reduce_min3A_612 = tpu.scan <min>, %get3A_609 masked %reduce_min3A_611 : vector<16xf32>, vector<16xi1> -> vector<16xf32>
      %reduce_min3A_613 = vector.extract %reduce_min3A_612[15] : f32 from vector<16xf32>
      %eq3A_614 = arith.constant 13 : i32
      %eq3A_615 = vector.broadcast %eq3A_614 : i32 to vector<16xi32>
      %eq3A_616 = arith.cmpi eq, %iota3A, %eq3A_615 : vector<16xi32>
      %broadcast_in_dim3A_617 = vector.broadcast %reduce_min3A_613 : f32 to vector<16xf32>
      %select_n3A_618 = arith.select %eq3A_616, %broadcast_in_dim3A_617, %select_n3A_607 : vector<16xi1>, vector<16xf32>
      %get3A_619 = arith.constant 736 : index
      %get3A_620 = tpu.vector_load %arg7[%get3A_619] {strides = array<i32>} : memref<1024xf32, #tpu.memory_space<vmem>>, vector<16xf32>,
      %reduce_min3A_621 = arith.constant true
      %reduce_min3A_622 = vector.broadcast %reduce_min3A_621 : i1 to vector<16xi1>
      %reduce_min3A_623 = tpu.scan <min>, %get3A_620 masked %reduce_min3A_622 : vector<16xf32>, vector<16xi1> -> vector<16xf32>
      %reduce_min3A_624 = vector.extract %reduce_min3A_623[15] : f32 from vector<16xf32>
      %eq3A_625 = arith.constant 14 : i32
      %eq3A_626 = vector.broadcast %eq3A_625 : i32 to vector<16xi32>
      %eq3A_627 = arith.cmpi eq, %iota3A, %eq3A_626 : vector<16xi32>
      %broadcast_in_dim3A_628 = vector.broadcast %reduce_min3A_624 : f32 to vector<16xf32>
      %select_n3A_629 = arith.select %eq3A_627, %broadcast_in_dim3A_628, %select_n3A_618 : vector<16xi1>, vector<16xf32>
      %get3A_630 = arith.constant 752 : index
      %get3A_631 = tpu.vector_load %arg7[%get3A_630] {strides = array<i32>} : memref<1024xf32, #tpu.memory_space<vmem>>, vector<16xf32>,
      %reduce_min3A_632 = arith.constant true
      %reduce_min3A_633 = vector.broadcast %reduce_min3A_632 : i1 to vector<16xi1>
      %reduce_min3A_634 = tpu.scan <min>, %get3A_631 masked %reduce_min3A_633 : vector<16xf32>, vector<16xi1> -> vector<16xf32>
      %reduce_min3A_635 = vector.extract %reduce_min3A_634[15] : f32 from vector<16xf32>
      %eq3A_636 = arith.constant 15 : i32
      %eq3A_637 = vector.broadcast %eq3A_636 : i32 to vector<16xi32>
      %eq3A_638 = arith.cmpi eq, %iota3A, %eq3A_637 : vector<16xi32>
      %broadcast_in_dim3A_639 = vector.broadcast %reduce_min3A_635 : f32 to vector<16xf32>
      %select_n3A_640 = arith.select %eq3A_638, %broadcast_in_dim3A_639, %select_n3A_629 : vector<16xi1>, vector<16xf32>
      %swap3A_641 = arith.constant 32 : index
      %swap3A_642 = tpu.vector_load %arg8[%swap3A_641] {strides = array<i32>} : memref<64xf32, #tpu.memory_space<vmem>>, vector<16xf32>,
      tpu.vector_store %arg8[%swap3A_641], %select_n3A_640 {strides = array<i32>} : memref<64xf32, #tpu.memory_space<vmem>>, vector<16xf32>,
      %broadcast_in_dim3A_643 = arith.constant 1.000000e+30 : f32
      %broadcast_in_dim3A_644 = vector.broadcast %broadcast_in_dim3A_643 : f32 to vector<16xf32>
      %get3A_645 = arith.constant 768 : index
      %get3A_646 = tpu.vector_load %arg7[%get3A_645] {strides = array<i32>} : memref<1024xf32, #tpu.memory_space<vmem>>, vector<16xf32>,
      %reduce_min3A_647 = arith.constant true
      %reduce_min3A_648 = vector.broadcast %reduce_min3A_647 : i1 to vector<16xi1>
      %reduce_min3A_649 = tpu.scan <min>, %get3A_646 masked %reduce_min3A_648 : vector<16xf32>, vector<16xi1> -> vector<16xf32>
      %reduce_min3A_650 = vector.extract %reduce_min3A_649[15] : f32 from vector<16xf32>
      %eq3A_651 = arith.constant 0 : i32
      %eq3A_652 = vector.broadcast %eq3A_651 : i32 to vector<16xi32>
      %eq3A_653 = arith.cmpi eq, %iota3A, %eq3A_652 : vector<16xi32>
      %broadcast_in_dim3A_654 = vector.broadcast %reduce_min3A_650 : f32 to vector<16xf32>
      %select_n3A_655 = arith.select %eq3A_653, %broadcast_in_dim3A_654, %broadcast_in_dim3A_644 : vector<16xi1>, vector<16xf32>
      %get3A_656 = arith.constant 784 : index
      %get3A_657 = tpu.vector_load %arg7[%get3A_656] {strides = array<i32>} : memref<1024xf32, #tpu.memory_space<vmem>>, vector<16xf32>,
      %reduce_min3A_658 = arith.constant true
      %reduce_min3A_659 = vector.broadcast %reduce_min3A_658 : i1 to vector<16xi1>
      %reduce_min3A_660 = tpu.scan <min>, %get3A_657 masked %reduce_min3A_659 : vector<16xf32>, vector<16xi1> -> vector<16xf32>
      %reduce_min3A_661 = vector.extract %reduce_min3A_660[15] : f32 from vector<16xf32>
      %eq3A_662 = arith.constant 1 : i32
      %eq3A_663 = vector.broadcast %eq3A_662 : i32 to vector<16xi32>
      %eq3A_664 = arith.cmpi eq, %iota3A, %eq3A_663 : vector<16xi32>
      %broadcast_in_dim3A_665 = vector.broadcast %reduce_min3A_661 : f32 to vector<16xf32>
      %select_n3A_666 = arith.select %eq3A_664, %broadcast_in_dim3A_665, %select_n3A_655 : vector<16xi1>, vector<16xf32>
      %get3A_667 = arith.constant 800 : index
      %get3A_668 = tpu.vector_load %arg7[%get3A_667] {strides = array<i32>} : memref<1024xf32, #tpu.memory_space<vmem>>, vector<16xf32>,
      %reduce_min3A_669 = arith.constant true
      %reduce_min3A_670 = vector.broadcast %reduce_min3A_669 : i1 to vector<16xi1>
      %reduce_min3A_671 = tpu.scan <min>, %get3A_668 masked %reduce_min3A_670 : vector<16xf32>, vector<16xi1> -> vector<16xf32>
      %reduce_min3A_672 = vector.extract %reduce_min3A_671[15] : f32 from vector<16xf32>
      %eq3A_673 = arith.constant 2 : i32
      %eq3A_674 = vector.broadcast %eq3A_673 : i32 to vector<16xi32>
      %eq3A_675 = arith.cmpi eq, %iota3A, %eq3A_674 : vector<16xi32>
      %broadcast_in_dim3A_676 = vector.broadcast %reduce_min3A_672 : f32 to vector<16xf32>
      %select_n3A_677 = arith.select %eq3A_675, %broadcast_in_dim3A_676, %select_n3A_666 : vector<16xi1>, vector<16xf32>
      %get3A_678 = arith.constant 816 : index
      %get3A_679 = tpu.vector_load %arg7[%get3A_678] {strides = array<i32>} : memref<1024xf32, #tpu.memory_space<vmem>>, vector<16xf32>,
      %reduce_min3A_680 = arith.constant true
      %reduce_min3A_681 = vector.broadcast %reduce_min3A_680 : i1 to vector<16xi1>
      %reduce_min3A_682 = tpu.scan <min>, %get3A_679 masked %reduce_min3A_681 : vector<16xf32>, vector<16xi1> -> vector<16xf32>
      %reduce_min3A_683 = vector.extract %reduce_min3A_682[15] : f32 from vector<16xf32>
      %eq3A_684 = arith.constant 3 : i32
      %eq3A_685 = vector.broadcast %eq3A_684 : i32 to vector<16xi32>
      %eq3A_686 = arith.cmpi eq, %iota3A, %eq3A_685 : vector<16xi32>
      %broadcast_in_dim3A_687 = vector.broadcast %reduce_min3A_683 : f32 to vector<16xf32>
      %select_n3A_688 = arith.select %eq3A_686, %broadcast_in_dim3A_687, %select_n3A_677 : vector<16xi1>, vector<16xf32>
      %get3A_689 = arith.constant 832 : index
      %get3A_690 = tpu.vector_load %arg7[%get3A_689] {strides = array<i32>} : memref<1024xf32, #tpu.memory_space<vmem>>, vector<16xf32>,
      %reduce_min3A_691 = arith.constant true
      %reduce_min3A_692 = vector.broadcast %reduce_min3A_691 : i1 to vector<16xi1>
      %reduce_min3A_693 = tpu.scan <min>, %get3A_690 masked %reduce_min3A_692 : vector<16xf32>, vector<16xi1> -> vector<16xf32>
      %reduce_min3A_694 = vector.extract %reduce_min3A_693[15] : f32 from vector<16xf32>
      %eq3A_695 = arith.constant 4 : i32
      %eq3A_696 = vector.broadcast %eq3A_695 : i32 to vector<16xi32>
      %eq3A_697 = arith.cmpi eq, %iota3A, %eq3A_696 : vector<16xi32>
      %broadcast_in_dim3A_698 = vector.broadcast %reduce_min3A_694 : f32 to vector<16xf32>
      %select_n3A_699 = arith.select %eq3A_697, %broadcast_in_dim3A_698, %select_n3A_688 : vector<16xi1>, vector<16xf32>
      %get3A_700 = arith.constant 848 : index
      %get3A_701 = tpu.vector_load %arg7[%get3A_700] {strides = array<i32>} : memref<1024xf32, #tpu.memory_space<vmem>>, vector<16xf32>,
      %reduce_min3A_702 = arith.constant true
      %reduce_min3A_703 = vector.broadcast %reduce_min3A_702 : i1 to vector<16xi1>
      %reduce_min3A_704 = tpu.scan <min>, %get3A_701 masked %reduce_min3A_703 : vector<16xf32>, vector<16xi1> -> vector<16xf32>
      %reduce_min3A_705 = vector.extract %reduce_min3A_704[15] : f32 from vector<16xf32>
      %eq3A_706 = arith.constant 5 : i32
      %eq3A_707 = vector.broadcast %eq3A_706 : i32 to vector<16xi32>
      %eq3A_708 = arith.cmpi eq, %iota3A, %eq3A_707 : vector<16xi32>
      %broadcast_in_dim3A_709 = vector.broadcast %reduce_min3A_705 : f32 to vector<16xf32>
      %select_n3A_710 = arith.select %eq3A_708, %broadcast_in_dim3A_709, %select_n3A_699 : vector<16xi1>, vector<16xf32>
      %get3A_711 = arith.constant 864 : index
      %get3A_712 = tpu.vector_load %arg7[%get3A_711] {strides = array<i32>} : memref<1024xf32, #tpu.memory_space<vmem>>, vector<16xf32>,
      %reduce_min3A_713 = arith.constant true
      %reduce_min3A_714 = vector.broadcast %reduce_min3A_713 : i1 to vector<16xi1>
      %reduce_min3A_715 = tpu.scan <min>, %get3A_712 masked %reduce_min3A_714 : vector<16xf32>, vector<16xi1> -> vector<16xf32>
      %reduce_min3A_716 = vector.extract %reduce_min3A_715[15] : f32 from vector<16xf32>
      %eq3A_717 = arith.constant 6 : i32
      %eq3A_718 = vector.broadcast %eq3A_717 : i32 to vector<16xi32>
      %eq3A_719 = arith.cmpi eq, %iota3A, %eq3A_718 : vector<16xi32>
      %broadcast_in_dim3A_720 = vector.broadcast %reduce_min3A_716 : f32 to vector<16xf32>
      %select_n3A_721 = arith.select %eq3A_719, %broadcast_in_dim3A_720, %select_n3A_710 : vector<16xi1>, vector<16xf32>
      %get3A_722 = arith.constant 880 : index
      %get3A_723 = tpu.vector_load %arg7[%get3A_722] {strides = array<i32>} : memref<1024xf32, #tpu.memory_space<vmem>>, vector<16xf32>,
      %reduce_min3A_724 = arith.constant true
      %reduce_min3A_725 = vector.broadcast %reduce_min3A_724 : i1 to vector<16xi1>
      %reduce_min3A_726 = tpu.scan <min>, %get3A_723 masked %reduce_min3A_725 : vector<16xf32>, vector<16xi1> -> vector<16xf32>
      %reduce_min3A_727 = vector.extract %reduce_min3A_726[15] : f32 from vector<16xf32>
      %eq3A_728 = arith.constant 7 : i32
      %eq3A_729 = vector.broadcast %eq3A_728 : i32 to vector<16xi32>
      %eq3A_730 = arith.cmpi eq, %iota3A, %eq3A_729 : vector<16xi32>
      %broadcast_in_dim3A_731 = vector.broadcast %reduce_min3A_727 : f32 to vector<16xf32>
      %select_n3A_732 = arith.select %eq3A_730, %broadcast_in_dim3A_731, %select_n3A_721 : vector<16xi1>, vector<16xf32>
      %get3A_733 = arith.constant 896 : index
      %get3A_734 = tpu.vector_load %arg7[%get3A_733] {strides = array<i32>} : memref<1024xf32, #tpu.memory_space<vmem>>, vector<16xf32>,
      %reduce_min3A_735 = arith.constant true
      %reduce_min3A_736 = vector.broadcast %reduce_min3A_735 : i1 to vector<16xi1>
      %reduce_min3A_737 = tpu.scan <min>, %get3A_734 masked %reduce_min3A_736 : vector<16xf32>, vector<16xi1> -> vector<16xf32>
      %reduce_min3A_738 = vector.extract %reduce_min3A_737[15] : f32 from vector<16xf32>
      %eq3A_739 = arith.constant 8 : i32
      %eq3A_740 = vector.broadcast %eq3A_739 : i32 to vector<16xi32>
      %eq3A_741 = arith.cmpi eq, %iota3A, %eq3A_740 : vector<16xi32>
      %broadcast_in_dim3A_742 = vector.broadcast %reduce_min3A_738 : f32 to vector<16xf32>
      %select_n3A_743 = arith.select %eq3A_741, %broadcast_in_dim3A_742, %select_n3A_732 : vector<16xi1>, vector<16xf32>
      %get3A_744 = arith.constant 912 : index
      %get3A_745 = tpu.vector_load %arg7[%get3A_744] {strides = array<i32>} : memref<1024xf32, #tpu.memory_space<vmem>>, vector<16xf32>,
      %reduce_min3A_746 = arith.constant true
      %reduce_min3A_747 = vector.broadcast %reduce_min3A_746 : i1 to vector<16xi1>
      %reduce_min3A_748 = tpu.scan <min>, %get3A_745 masked %reduce_min3A_747 : vector<16xf32>, vector<16xi1> -> vector<16xf32>
      %reduce_min3A_749 = vector.extract %reduce_min3A_748[15] : f32 from vector<16xf32>
      %eq3A_750 = arith.constant 9 : i32
      %eq3A_751 = vector.broadcast %eq3A_750 : i32 to vector<16xi32>
      %eq3A_752 = arith.cmpi eq, %iota3A, %eq3A_751 : vector<16xi32>
      %broadcast_in_dim3A_753 = vector.broadcast %reduce_min3A_749 : f32 to vector<16xf32>
      %select_n3A_754 = arith.select %eq3A_752, %broadcast_in_dim3A_753, %select_n3A_743 : vector<16xi1>, vector<16xf32>
      %get3A_755 = arith.constant 928 : index
      %get3A_756 = tpu.vector_load %arg7[%get3A_755] {strides = array<i32>} : memref<1024xf32, #tpu.memory_space<vmem>>, vector<16xf32>,
      %reduce_min3A_757 = arith.constant true
      %reduce_min3A_758 = vector.broadcast %reduce_min3A_757 : i1 to vector<16xi1>
      %reduce_min3A_759 = tpu.scan <min>, %get3A_756 masked %reduce_min3A_758 : vector<16xf32>, vector<16xi1> -> vector<16xf32>
      %reduce_min3A_760 = vector.extract %reduce_min3A_759[15] : f32 from vector<16xf32>
      %eq3A_761 = arith.constant 10 : i32
      %eq3A_762 = vector.broadcast %eq3A_761 : i32 to vector<16xi32>
      %eq3A_763 = arith.cmpi eq, %iota3A, %eq3A_762 : vector<16xi32>
      %broadcast_in_dim3A_764 = vector.broadcast %reduce_min3A_760 : f32 to vector<16xf32>
      %select_n3A_765 = arith.select %eq3A_763, %broadcast_in_dim3A_764, %select_n3A_754 : vector<16xi1>, vector<16xf32>
      %get3A_766 = arith.constant 944 : index
      %get3A_767 = tpu.vector_load %arg7[%get3A_766] {strides = array<i32>} : memref<1024xf32, #tpu.memory_space<vmem>>, vector<16xf32>,
      %reduce_min3A_768 = arith.constant true
      %reduce_min3A_769 = vector.broadcast %reduce_min3A_768 : i1 to vector<16xi1>
      %reduce_min3A_770 = tpu.scan <min>, %get3A_767 masked %reduce_min3A_769 : vector<16xf32>, vector<16xi1> -> vector<16xf32>
      %reduce_min3A_771 = vector.extract %reduce_min3A_770[15] : f32 from vector<16xf32>
      %eq3A_772 = arith.constant 11 : i32
      %eq3A_773 = vector.broadcast %eq3A_772 : i32 to vector<16xi32>
      %eq3A_774 = arith.cmpi eq, %iota3A, %eq3A_773 : vector<16xi32>
      %broadcast_in_dim3A_775 = vector.broadcast %reduce_min3A_771 : f32 to vector<16xf32>
      %select_n3A_776 = arith.select %eq3A_774, %broadcast_in_dim3A_775, %select_n3A_765 : vector<16xi1>, vector<16xf32>
      %get3A_777 = arith.constant 960 : index
      %get3A_778 = tpu.vector_load %arg7[%get3A_777] {strides = array<i32>} : memref<1024xf32, #tpu.memory_space<vmem>>, vector<16xf32>,
      %reduce_min3A_779 = arith.constant true
      %reduce_min3A_780 = vector.broadcast %reduce_min3A_779 : i1 to vector<16xi1>
      %reduce_min3A_781 = tpu.scan <min>, %get3A_778 masked %reduce_min3A_780 : vector<16xf32>, vector<16xi1> -> vector<16xf32>
      %reduce_min3A_782 = vector.extract %reduce_min3A_781[15] : f32 from vector<16xf32>
      %eq3A_783 = arith.constant 12 : i32
      %eq3A_784 = vector.broadcast %eq3A_783 : i32 to vector<16xi32>
      %eq3A_785 = arith.cmpi eq, %iota3A, %eq3A_784 : vector<16xi32>
      %broadcast_in_dim3A_786 = vector.broadcast %reduce_min3A_782 : f32 to vector<16xf32>
      %select_n3A_787 = arith.select %eq3A_785, %broadcast_in_dim3A_786, %select_n3A_776 : vector<16xi1>, vector<16xf32>
      %get3A_788 = arith.constant 976 : index
      %get3A_789 = tpu.vector_load %arg7[%get3A_788] {strides = array<i32>} : memref<1024xf32, #tpu.memory_space<vmem>>, vector<16xf32>,
      %reduce_min3A_790 = arith.constant true
      %reduce_min3A_791 = vector.broadcast %reduce_min3A_790 : i1 to vector<16xi1>
      %reduce_min3A_792 = tpu.scan <min>, %get3A_789 masked %reduce_min3A_791 : vector<16xf32>, vector<16xi1> -> vector<16xf32>
      %reduce_min3A_793 = vector.extract %reduce_min3A_792[15] : f32 from vector<16xf32>
      %eq3A_794 = arith.constant 13 : i32
      %eq3A_795 = vector.broadcast %eq3A_794 : i32 to vector<16xi32>
      %eq3A_796 = arith.cmpi eq, %iota3A, %eq3A_795 : vector<16xi32>
      %broadcast_in_dim3A_797 = vector.broadcast %reduce_min3A_793 : f32 to vector<16xf32>
      %select_n3A_798 = arith.select %eq3A_796, %broadcast_in_dim3A_797, %select_n3A_787 : vector<16xi1>, vector<16xf32>
      %get3A_799 = arith.constant 992 : index
      %get3A_800 = tpu.vector_load %arg7[%get3A_799] {strides = array<i32>} : memref<1024xf32, #tpu.memory_space<vmem>>, vector<16xf32>,
      %reduce_min3A_801 = arith.constant true
      %reduce_min3A_802 = vector.broadcast %reduce_min3A_801 : i1 to vector<16xi1>
      %reduce_min3A_803 = tpu.scan <min>, %get3A_800 masked %reduce_min3A_802 : vector<16xf32>, vector<16xi1> -> vector<16xf32>
      %reduce_min3A_804 = vector.extract %reduce_min3A_803[15] : f32 from vector<16xf32>
      %eq3A_805 = arith.constant 14 : i32
      %eq3A_806 = vector.broadcast %eq3A_805 : i32 to vector<16xi32>
      %eq3A_807 = arith.cmpi eq, %iota3A, %eq3A_806 : vector<16xi32>
      %broadcast_in_dim3A_808 = vector.broadcast %reduce_min3A_804 : f32 to vector<16xf32>
      %select_n3A_809 = arith.select %eq3A_807, %broadcast_in_dim3A_808, %select_n3A_798 : vector<16xi1>, vector<16xf32>
      %get3A_810 = arith.constant 1008 : index
      %get3A_811 = tpu.vector_load %arg7[%get3A_810] {strides = array<i32>} : memref<1024xf32, #tpu.memory_space<vmem>>, vector<16xf32>,
      %reduce_min3A_812 = arith.constant true
      %reduce_min3A_813 = vector.broadcast %reduce_min3A_812 : i1 to vector<16xi1>
      %reduce_min3A_814 = tpu.scan <min>, %get3A_811 masked %reduce_min3A_813 : vector<16xf32>, vector<16xi1> -> vector<16xf32>
      %reduce_min3A_815 = vector.extract %reduce_min3A_814[15] : f32 from vector<16xf32>
      %eq3A_816 = arith.constant 15 : i32
      %eq3A_817 = vector.broadcast %eq3A_816 : i32 to vector<16xi32>
      %eq3A_818 = arith.cmpi eq, %iota3A, %eq3A_817 : vector<16xi32>
      %broadcast_in_dim3A_819 = vector.broadcast %reduce_min3A_815 : f32 to vector<16xf32>
      %select_n3A_820 = arith.select %eq3A_818, %broadcast_in_dim3A_819, %select_n3A_809 : vector<16xi1>, vector<16xf32>
      %swap3A_821 = arith.constant 48 : index
      %swap3A_822 = tpu.vector_load %arg8[%swap3A_821] {strides = array<i32>} : memref<64xf32, #tpu.memory_space<vmem>>, vector<16xf32>,
      tpu.vector_store %arg8[%swap3A_821], %select_n3A_820 {strides = array<i32>} : memref<64xf32, #tpu.memory_space<vmem>>, vector<16xf32>,
      %scan3A = arith.constant 0 : i32
      %scan3A_823 = arith.constant 0 : i32
      %scan3A_824 = arith.constant 100 : i32
      %scan3A_825 = arith.addi %scan3A_823, %scan3A_824 : i32
      %scan3A_826 = arith.constant 1 : i32
      %scan3A_827 = scf.for %scan3A_829 = %scan3A_823 to %scan3A_825 step %scan3A_826 iter_args(%scan3A_830 = %scan3A) -> (i32)  : i32 {
        %while3A = arith.constant false
        %while3A_831 = arith.constant 0 : i32
        %while3A_832 = arith.constant 0 : i32
        %while3A_833:3 = scf.while (%while3A_999 = %while3A, %while3A_1000 = %while3A_831, %while3A_1001 = %while3A_832) : (i1, i32, i32) -> (i1, i32, i32) {
          %not3A = arith.constant true
          %not3A_1002 = arith.xori %while3A_999, %not3A : i1
          scf.condition(%not3A_1002) %while3A_999, %while3A_1000, %while3A_1001 : i1, i32, i32
        } do {
        ^bb0(%while3A_999: i1, %while3A_1000: i32, %while3A_1001: i32):
          %get3A_1002 = arith.constant 0 : index
          %get3A_1003 = tpu.vector_load %arg8[%get3A_1002] {strides = array<i32>} : memref<64xf32, #tpu.memory_space<vmem>>, vector<16xf32>,
          %get3A_1004 = arith.constant 16 : index
          %get3A_1005 = tpu.vector_load %arg8[%get3A_1004] {strides = array<i32>} : memref<64xf32, #tpu.memory_space<vmem>>, vector<16xf32>,
          %get3A_1006 = arith.constant 32 : index
          %get3A_1007 = tpu.vector_load %arg8[%get3A_1006] {strides = array<i32>} : memref<64xf32, #tpu.memory_space<vmem>>, vector<16xf32>,
          %get3A_1008 = arith.constant 48 : index
          %get3A_1009 = tpu.vector_load %arg8[%get3A_1008] {strides = array<i32>} : memref<64xf32, #tpu.memory_space<vmem>>, vector<16xf32>,
          %min3A = arith.minimumf %get3A_1003, %get3A_1005 : vector<16xf32>
          %min3A_1010 = arith.minimumf %get3A_1007, %get3A_1009 : vector<16xf32>
          %min3A_1011 = arith.minimumf %min3A, %min3A_1010 : vector<16xf32>
          %reduce_min3A_1012 = arith.constant true
          %reduce_min3A_1013 = vector.broadcast %reduce_min3A_1012 : i1 to vector<16xi1>
          %reduce_min3A_1014 = tpu.scan <min>, %min3A_1011 masked %reduce_min3A_1013 : vector<16xf32>, vector<16xi1> -> vector<16xf32>
          %reduce_min3A_1015 = vector.extract %reduce_min3A_1014[15] : f32 from vector<16xf32>
          %broadcast_in_dim3A_1016 = arith.constant 64 : i32
          %broadcast_in_dim3A_1017 = vector.broadcast %broadcast_in_dim3A_1016 : i32 to vector<16xi32>
          %eq3A_1018 = vector.broadcast %reduce_min3A_1015 : f32 to vector<16xf32>
          %eq3A_1019 = arith.cmpf oeq, %get3A_1003, %eq3A_1018 : vector<16xf32>
          %add3A_1020 = arith.constant 0 : i32
          %add3A_1021 = vector.broadcast %add3A_1020 : i32 to vector<16xi32>
          %add3A_1022 = arith.addi %add3A_1021, %iota3A : vector<16xi32>
          %jit3A_1023 = arith.constant 64 : i32
          %broadcast_in_dim3A_1024 = vector.broadcast %jit3A_1023 : i32 to vector<16xi32>
          %select_n3A_1025 = arith.select %eq3A_1019, %add3A_1022, %broadcast_in_dim3A_1024 : vector<16xi1>, vector<16xi32>
          %min3A_1026 = arith.minsi %broadcast_in_dim3A_1017, %select_n3A_1025 : vector<16xi32>
          %eq3A_1027 = vector.broadcast %reduce_min3A_1015 : f32 to vector<16xf32>
          %eq3A_1028 = arith.cmpf oeq, %get3A_1005, %eq3A_1027 : vector<16xf32>
          %add3A_1029 = arith.constant 16 : i32
          %add3A_1030 = vector.broadcast %add3A_1029 : i32 to vector<16xi32>
          %add3A_1031 = arith.addi %add3A_1030, %iota3A : vector<16xi32>
          %jit3A_1032 = arith.constant 64 : i32
          %broadcast_in_dim3A_1033 = vector.broadcast %jit3A_1032 : i32 to vector<16xi32>
          %select_n3A_1034 = arith.select %eq3A_1028, %add3A_1031, %broadcast_in_dim3A_1033 : vector<16xi1>, vector<16xi32>
          %min3A_1035 = arith.minsi %min3A_1026, %select_n3A_1034 : vector<16xi32>
          %eq3A_1036 = vector.broadcast %reduce_min3A_1015 : f32 to vector<16xf32>
          %eq3A_1037 = arith.cmpf oeq, %get3A_1007, %eq3A_1036 : vector<16xf32>
          %add3A_1038 = arith.constant 32 : i32
          %add3A_1039 = vector.broadcast %add3A_1038 : i32 to vector<16xi32>
          %add3A_1040 = arith.addi %add3A_1039, %iota3A : vector<16xi32>
          %jit3A_1041 = arith.constant 64 : i32
          %broadcast_in_dim3A_1042 = vector.broadcast %jit3A_1041 : i32 to vector<16xi32>
          %select_n3A_1043 = arith.select %eq3A_1037, %add3A_1040, %broadcast_in_dim3A_1042 : vector<16xi1>, vector<16xi32>
          %min3A_1044 = arith.minsi %min3A_1035, %select_n3A_1043 : vector<16xi32>
          %eq3A_1045 = vector.broadcast %reduce_min3A_1015 : f32 to vector<16xf32>
          %eq3A_1046 = arith.cmpf oeq, %get3A_1009, %eq3A_1045 : vector<16xf32>
          %add3A_1047 = arith.constant 48 : i32
          %add3A_1048 = vector.broadcast %add3A_1047 : i32 to vector<16xi32>
          %add3A_1049 = arith.addi %add3A_1048, %iota3A : vector<16xi32>
          %jit3A_1050 = arith.constant 64 : i32
          %broadcast_in_dim3A_1051 = vector.broadcast %jit3A_1050 : i32 to vector<16xi32>
          %select_n3A_1052 = arith.select %eq3A_1046, %add3A_1049, %broadcast_in_dim3A_1051 : vector<16xi1>, vector<16xi32>
          %min3A_1053 = arith.minsi %min3A_1044, %select_n3A_1052 : vector<16xi32>
          %reduce_min3A_1054 = arith.constant true
          %reduce_min3A_1055 = vector.broadcast %reduce_min3A_1054 : i1 to vector<16xi1>
          %reduce_min3A_1056 = arith.constant -2147483648 : i32
          %reduce_min3A_1057 = vector.broadcast %reduce_min3A_1056 : i32 to vector<16xi32>
          %reduce_min3A_1058 = arith.xori %min3A_1053, %reduce_min3A_1057 : vector<16xi32>
          %reduce_min3A_1059 = tpu.scan <min>, %reduce_min3A_1058 masked %reduce_min3A_1055 : vector<16xi32>, vector<16xi1> -> vector<16xi32>
          %reduce_min3A_1060 = arith.xori %reduce_min3A_1059, %reduce_min3A_1057 : vector<16xi32>
          %reduce_min3A_1061 = vector.extract %reduce_min3A_1060[15] : i32 from vector<16xi32>
          %mul3A_1062 = arith.constant 16 : i32
          %mul3A_1063 = arith.muli %mul3A_1062, %reduce_min3A_1061 : i32
          %multiple_of3A_1064 = tpu.assume_multiple %mul3A_1063, 16 : i32
          %get3A_1065 = arith.index_cast %multiple_of3A_1064 : i32 to index
          %get3A_1066 = tpu.vector_load %arg7[%get3A_1065] {strides = array<i32>} : memref<1024xf32, #tpu.memory_space<vmem>>, vector<16xf32>,
          %eq3A_1067 = vector.broadcast %reduce_min3A_1015 : f32 to vector<16xf32>
          %eq3A_1068 = arith.cmpf oeq, %get3A_1066, %eq3A_1067 : vector<16xf32>
          %jit3A_1069 = arith.constant 16 : i32
          %broadcast_in_dim3A_1070 = vector.broadcast %jit3A_1069 : i32 to vector<16xi32>
          %select_n3A_1071 = arith.select %eq3A_1068, %iota3A, %broadcast_in_dim3A_1070 : vector<16xi1>, vector<16xi32>
          %reduce_min3A_1072 = arith.constant true
          %reduce_min3A_1073 = vector.broadcast %reduce_min3A_1072 : i1 to vector<16xi1>
          %reduce_min3A_1074 = arith.constant -2147483648 : i32
          %reduce_min3A_1075 = vector.broadcast %reduce_min3A_1074 : i32 to vector<16xi32>
          %reduce_min3A_1076 = arith.xori %select_n3A_1071, %reduce_min3A_1075 : vector<16xi32>
          %reduce_min3A_1077 = tpu.scan <min>, %reduce_min3A_1076 masked %reduce_min3A_1073 : vector<16xi32>, vector<16xi1> -> vector<16xi32>
          %reduce_min3A_1078 = arith.xori %reduce_min3A_1077, %reduce_min3A_1075 : vector<16xi32>
          %reduce_min3A_1079 = vector.extract %reduce_min3A_1078[15] : i32 from vector<16xi32>
          %mul3A_1080 = arith.constant 16 : i32
          %mul3A_1081 = arith.muli %mul3A_1080, %reduce_min3A_1061 : i32
          %add3A_1082 = arith.addi %mul3A_1081, %reduce_min3A_1079 : i32
          %broadcast_in_dim3A_1083 = arith.constant 1.000000e+30 : f32
          %broadcast_in_dim3A_1084 = vector.broadcast %broadcast_in_dim3A_1083 : f32 to vector<16xf32>
          %broadcast_in_dim3A_1085 = arith.constant 128 : i32
          %broadcast_in_dim3A_1086 = vector.broadcast %broadcast_in_dim3A_1085 : i32 to vector<16xi32>
          %add3A_1087 = arith.constant 0 : i32
          %add3A_1088 = vector.broadcast %add3A_1087 : i32 to vector<16xi32>
          %add3A_1089 = arith.addi %add3A_1088, %iota3A : vector<16xi32>
          %mul3A_1090 = arith.constant 128 : i32
          %mul3A_1091 = arith.muli %add3A_1082, %mul3A_1090 : i32
          %add3A_1092 = arith.constant 0 : i32
          %add3A_1093 = arith.addi %mul3A_1091, %add3A_1092 : i32
          %multiple_of3A_1094 = tpu.assume_multiple %add3A_1093, 16 : i32
          %get3A_1095 = arith.index_cast %multiple_of3A_1094 : i32 to index
          %get3A_1096 = tpu.vector_load %arg6[%get3A_1095] {strides = array<i32>} : memref<116736xf32, #tpu.memory_space<vmem>>, vector<16xf32>,
          %get3A_1097 = arith.constant 0 : index
          %get3A_1098 = tpu.vector_load %arg9[%get3A_1097] {strides = array<i32>} : memref<128xf32, #tpu.memory_space<vmem>>, vector<16xf32>,
          %gt3A = arith.constant 0.000000e+00 : f32
          %gt3A_1099 = vector.broadcast %gt3A : f32 to vector<16xf32>
          %gt3A_1100 = arith.cmpf ogt, %get3A_1098, %gt3A_1099 : vector<16xf32>
          %jit3A_1101 = arith.constant 1.000000e+30 : f32
          %broadcast_in_dim3A_1102 = vector.broadcast %jit3A_1101 : f32 to vector<16xf32>
          %select_n3A_1103 = arith.select %gt3A_1100, %broadcast_in_dim3A_1102, %get3A_1096 : vector<16xi1>, vector<16xf32>
          %lt3A_1104 = arith.cmpf olt, %select_n3A_1103, %broadcast_in_dim3A_1084 : vector<16xf32>
          %select_n3A_1105 = arith.select %lt3A_1104, %select_n3A_1103, %broadcast_in_dim3A_1084 : vector<16xi1>, vector<16xf32>
          %select_n3A_1106 = arith.select %lt3A_1104, %add3A_1089, %broadcast_in_dim3A_1086 : vector<16xi1>, vector<16xi32>
          %add3A_1107 = arith.constant 16 : i32
          %add3A_1108 = vector.broadcast %add3A_1107 : i32 to vector<16xi32>
          %add3A_1109 = arith.addi %add3A_1108, %iota3A : vector<16xi32>
          %mul3A_1110 = arith.constant 128 : i32
          %mul3A_1111 = arith.muli %add3A_1082, %mul3A_1110 : i32
          %add3A_1112 = arith.constant 16 : i32
          %add3A_1113 = arith.addi %mul3A_1111, %add3A_1112 : i32
          %multiple_of3A_1114 = tpu.assume_multiple %add3A_1113, 16 : i32
          %get3A_1115 = arith.index_cast %multiple_of3A_1114 : i32 to index
          %get3A_1116 = tpu.vector_load %arg6[%get3A_1115] {strides = array<i32>} : memref<116736xf32, #tpu.memory_space<vmem>>, vector<16xf32>,
          %get3A_1117 = arith.constant 16 : index
          %get3A_1118 = tpu.vector_load %arg9[%get3A_1117] {strides = array<i32>} : memref<128xf32, #tpu.memory_space<vmem>>, vector<16xf32>,
          %gt3A_1119 = arith.constant 0.000000e+00 : f32
          %gt3A_1120 = vector.broadcast %gt3A_1119 : f32 to vector<16xf32>
          %gt3A_1121 = arith.cmpf ogt, %get3A_1118, %gt3A_1120 : vector<16xf32>
          %jit3A_1122 = arith.constant 1.000000e+30 : f32
          %broadcast_in_dim3A_1123 = vector.broadcast %jit3A_1122 : f32 to vector<16xf32>
          %select_n3A_1124 = arith.select %gt3A_1121, %broadcast_in_dim3A_1123, %get3A_1116 : vector<16xi1>, vector<16xf32>
          %lt3A_1125 = arith.cmpf olt, %select_n3A_1124, %select_n3A_1105 : vector<16xf32>
          %select_n3A_1126 = arith.select %lt3A_1125, %select_n3A_1124, %select_n3A_1105 : vector<16xi1>, vector<16xf32>
          %select_n3A_1127 = arith.select %lt3A_1125, %add3A_1109, %select_n3A_1106 : vector<16xi1>, vector<16xi32>
          %add3A_1128 = arith.constant 32 : i32
          %add3A_1129 = vector.broadcast %add3A_1128 : i32 to vector<16xi32>
          %add3A_1130 = arith.addi %add3A_1129, %iota3A : vector<16xi32>
          %mul3A_1131 = arith.constant 128 : i32
          %mul3A_1132 = arith.muli %add3A_1082, %mul3A_1131 : i32
          %add3A_1133 = arith.constant 32 : i32
          %add3A_1134 = arith.addi %mul3A_1132, %add3A_1133 : i32
          %multiple_of3A_1135 = tpu.assume_multiple %add3A_1134, 16 : i32
          %get3A_1136 = arith.index_cast %multiple_of3A_1135 : i32 to index
          %get3A_1137 = tpu.vector_load %arg6[%get3A_1136] {strides = array<i32>} : memref<116736xf32, #tpu.memory_space<vmem>>, vector<16xf32>,
          %get3A_1138 = arith.constant 32 : index
          %get3A_1139 = tpu.vector_load %arg9[%get3A_1138] {strides = array<i32>} : memref<128xf32, #tpu.memory_space<vmem>>, vector<16xf32>,
          %gt3A_1140 = arith.constant 0.000000e+00 : f32
          %gt3A_1141 = vector.broadcast %gt3A_1140 : f32 to vector<16xf32>
          %gt3A_1142 = arith.cmpf ogt, %get3A_1139, %gt3A_1141 : vector<16xf32>
          %jit3A_1143 = arith.constant 1.000000e+30 : f32
          %broadcast_in_dim3A_1144 = vector.broadcast %jit3A_1143 : f32 to vector<16xf32>
          %select_n3A_1145 = arith.select %gt3A_1142, %broadcast_in_dim3A_1144, %get3A_1137 : vector<16xi1>, vector<16xf32>
          %lt3A_1146 = arith.cmpf olt, %select_n3A_1145, %select_n3A_1126 : vector<16xf32>
          %select_n3A_1147 = arith.select %lt3A_1146, %select_n3A_1145, %select_n3A_1126 : vector<16xi1>, vector<16xf32>
          %select_n3A_1148 = arith.select %lt3A_1146, %add3A_1130, %select_n3A_1127 : vector<16xi1>, vector<16xi32>
          %add3A_1149 = arith.constant 48 : i32
          %add3A_1150 = vector.broadcast %add3A_1149 : i32 to vector<16xi32>
          %add3A_1151 = arith.addi %add3A_1150, %iota3A : vector<16xi32>
          %mul3A_1152 = arith.constant 128 : i32
          %mul3A_1153 = arith.muli %add3A_1082, %mul3A_1152 : i32
          %add3A_1154 = arith.constant 48 : i32
          %add3A_1155 = arith.addi %mul3A_1153, %add3A_1154 : i32
          %multiple_of3A_1156 = tpu.assume_multiple %add3A_1155, 16 : i32
          %get3A_1157 = arith.index_cast %multiple_of3A_1156 : i32 to index
          %get3A_1158 = tpu.vector_load %arg6[%get3A_1157] {strides = array<i32>} : memref<116736xf32, #tpu.memory_space<vmem>>, vector<16xf32>,
          %get3A_1159 = arith.constant 48 : index
          %get3A_1160 = tpu.vector_load %arg9[%get3A_1159] {strides = array<i32>} : memref<128xf32, #tpu.memory_space<vmem>>, vector<16xf32>,
          %gt3A_1161 = arith.constant 0.000000e+00 : f32
          %gt3A_1162 = vector.broadcast %gt3A_1161 : f32 to vector<16xf32>
          %gt3A_1163 = arith.cmpf ogt, %get3A_1160, %gt3A_1162 : vector<16xf32>
          %jit3A_1164 = arith.constant 1.000000e+30 : f32
          %broadcast_in_dim3A_1165 = vector.broadcast %jit3A_1164 : f32 to vector<16xf32>
          %select_n3A_1166 = arith.select %gt3A_1163, %broadcast_in_dim3A_1165, %get3A_1158 : vector<16xi1>, vector<16xf32>
          %lt3A_1167 = arith.cmpf olt, %select_n3A_1166, %select_n3A_1147 : vector<16xf32>
          %select_n3A_1168 = arith.select %lt3A_1167, %select_n3A_1166, %select_n3A_1147 : vector<16xi1>, vector<16xf32>
          %select_n3A_1169 = arith.select %lt3A_1167, %add3A_1151, %select_n3A_1148 : vector<16xi1>, vector<16xi32>
          %add3A_1170 = arith.constant 64 : i32
          %add3A_1171 = vector.broadcast %add3A_1170 : i32 to vector<16xi32>
          %add3A_1172 = arith.addi %add3A_1171, %iota3A : vector<16xi32>
          %mul3A_1173 = arith.constant 128 : i32
          %mul3A_1174 = arith.muli %add3A_1082, %mul3A_1173 : i32
          %add3A_1175 = arith.constant 64 : i32
          %add3A_1176 = arith.addi %mul3A_1174, %add3A_1175 : i32
          %multiple_of3A_1177 = tpu.assume_multiple %add3A_1176, 16 : i32
          %get3A_1178 = arith.index_cast %multiple_of3A_1177 : i32 to index
          %get3A_1179 = tpu.vector_load %arg6[%get3A_1178] {strides = array<i32>} : memref<116736xf32, #tpu.memory_space<vmem>>, vector<16xf32>,
          %get3A_1180 = arith.constant 64 : index
          %get3A_1181 = tpu.vector_load %arg9[%get3A_1180] {strides = array<i32>} : memref<128xf32, #tpu.memory_space<vmem>>, vector<16xf32>,
          %gt3A_1182 = arith.constant 0.000000e+00 : f32
          %gt3A_1183 = vector.broadcast %gt3A_1182 : f32 to vector<16xf32>
          %gt3A_1184 = arith.cmpf ogt, %get3A_1181, %gt3A_1183 : vector<16xf32>
          %jit3A_1185 = arith.constant 1.000000e+30 : f32
          %broadcast_in_dim3A_1186 = vector.broadcast %jit3A_1185 : f32 to vector<16xf32>
          %select_n3A_1187 = arith.select %gt3A_1184, %broadcast_in_dim3A_1186, %get3A_1179 : vector<16xi1>, vector<16xf32>
          %lt3A_1188 = arith.cmpf olt, %select_n3A_1187, %select_n3A_1168 : vector<16xf32>
          %select_n3A_1189 = arith.select %lt3A_1188, %select_n3A_1187, %select_n3A_1168 : vector<16xi1>, vector<16xf32>
          %select_n3A_1190 = arith.select %lt3A_1188, %add3A_1172, %select_n3A_1169 : vector<16xi1>, vector<16xi32>
          %add3A_1191 = arith.constant 80 : i32
          %add3A_1192 = vector.broadcast %add3A_1191 : i32 to vector<16xi32>
          %add3A_1193 = arith.addi %add3A_1192, %iota3A : vector<16xi32>
          %mul3A_1194 = arith.constant 128 : i32
          %mul3A_1195 = arith.muli %add3A_1082, %mul3A_1194 : i32
          %add3A_1196 = arith.constant 80 : i32
          %add3A_1197 = arith.addi %mul3A_1195, %add3A_1196 : i32
          %multiple_of3A_1198 = tpu.assume_multiple %add3A_1197, 16 : i32
          %get3A_1199 = arith.index_cast %multiple_of3A_1198 : i32 to index
          %get3A_1200 = tpu.vector_load %arg6[%get3A_1199] {strides = array<i32>} : memref<116736xf32, #tpu.memory_space<vmem>>, vector<16xf32>,
          %get3A_1201 = arith.constant 80 : index
          %get3A_1202 = tpu.vector_load %arg9[%get3A_1201] {strides = array<i32>} : memref<128xf32, #tpu.memory_space<vmem>>, vector<16xf32>,
          %gt3A_1203 = arith.constant 0.000000e+00 : f32
          %gt3A_1204 = vector.broadcast %gt3A_1203 : f32 to vector<16xf32>
          %gt3A_1205 = arith.cmpf ogt, %get3A_1202, %gt3A_1204 : vector<16xf32>
          %jit3A_1206 = arith.constant 1.000000e+30 : f32
          %broadcast_in_dim3A_1207 = vector.broadcast %jit3A_1206 : f32 to vector<16xf32>
          %select_n3A_1208 = arith.select %gt3A_1205, %broadcast_in_dim3A_1207, %get3A_1200 : vector<16xi1>, vector<16xf32>
          %lt3A_1209 = arith.cmpf olt, %select_n3A_1208, %select_n3A_1189 : vector<16xf32>
          %select_n3A_1210 = arith.select %lt3A_1209, %select_n3A_1208, %select_n3A_1189 : vector<16xi1>, vector<16xf32>
          %select_n3A_1211 = arith.select %lt3A_1209, %add3A_1193, %select_n3A_1190 : vector<16xi1>, vector<16xi32>
          %add3A_1212 = arith.constant 96 : i32
          %add3A_1213 = vector.broadcast %add3A_1212 : i32 to vector<16xi32>
          %add3A_1214 = arith.addi %add3A_1213, %iota3A : vector<16xi32>
          %mul3A_1215 = arith.constant 128 : i32
          %mul3A_1216 = arith.muli %add3A_1082, %mul3A_1215 : i32
          %add3A_1217 = arith.constant 96 : i32
          %add3A_1218 = arith.addi %mul3A_1216, %add3A_1217 : i32
          %multiple_of3A_1219 = tpu.assume_multiple %add3A_1218, 16 : i32
          %get3A_1220 = arith.index_cast %multiple_of3A_1219 : i32 to index
          %get3A_1221 = tpu.vector_load %arg6[%get3A_1220] {strides = array<i32>} : memref<116736xf32, #tpu.memory_space<vmem>>, vector<16xf32>,
          %get3A_1222 = arith.constant 96 : index
          %get3A_1223 = tpu.vector_load %arg9[%get3A_1222] {strides = array<i32>} : memref<128xf32, #tpu.memory_space<vmem>>, vector<16xf32>,
          %gt3A_1224 = arith.constant 0.000000e+00 : f32
          %gt3A_1225 = vector.broadcast %gt3A_1224 : f32 to vector<16xf32>
          %gt3A_1226 = arith.cmpf ogt, %get3A_1223, %gt3A_1225 : vector<16xf32>
          %jit3A_1227 = arith.constant 1.000000e+30 : f32
          %broadcast_in_dim3A_1228 = vector.broadcast %jit3A_1227 : f32 to vector<16xf32>
          %select_n3A_1229 = arith.select %gt3A_1226, %broadcast_in_dim3A_1228, %get3A_1221 : vector<16xi1>, vector<16xf32>
          %lt3A_1230 = arith.cmpf olt, %select_n3A_1229, %select_n3A_1210 : vector<16xf32>
          %select_n3A_1231 = arith.select %lt3A_1230, %select_n3A_1229, %select_n3A_1210 : vector<16xi1>, vector<16xf32>
          %select_n3A_1232 = arith.select %lt3A_1230, %add3A_1214, %select_n3A_1211 : vector<16xi1>, vector<16xi32>
          %add3A_1233 = arith.constant 112 : i32
          %add3A_1234 = vector.broadcast %add3A_1233 : i32 to vector<16xi32>
          %add3A_1235 = arith.addi %add3A_1234, %iota3A : vector<16xi32>
          %mul3A_1236 = arith.constant 128 : i32
          %mul3A_1237 = arith.muli %add3A_1082, %mul3A_1236 : i32
          %add3A_1238 = arith.constant 112 : i32
          %add3A_1239 = arith.addi %mul3A_1237, %add3A_1238 : i32
          %multiple_of3A_1240 = tpu.assume_multiple %add3A_1239, 16 : i32
          %get3A_1241 = arith.index_cast %multiple_of3A_1240 : i32 to index
          %get3A_1242 = tpu.vector_load %arg6[%get3A_1241] {strides = array<i32>} : memref<116736xf32, #tpu.memory_space<vmem>>, vector<16xf32>,
          %get3A_1243 = arith.constant 112 : index
          %get3A_1244 = tpu.vector_load %arg9[%get3A_1243] {strides = array<i32>} : memref<128xf32, #tpu.memory_space<vmem>>, vector<16xf32>,
          %gt3A_1245 = arith.constant 0.000000e+00 : f32
          %gt3A_1246 = vector.broadcast %gt3A_1245 : f32 to vector<16xf32>
          %gt3A_1247 = arith.cmpf ogt, %get3A_1244, %gt3A_1246 : vector<16xf32>
          %jit3A_1248 = arith.constant 1.000000e+30 : f32
          %broadcast_in_dim3A_1249 = vector.broadcast %jit3A_1248 : f32 to vector<16xf32>
          %select_n3A_1250 = arith.select %gt3A_1247, %broadcast_in_dim3A_1249, %get3A_1242 : vector<16xi1>, vector<16xf32>
          %lt3A_1251 = arith.cmpf olt, %select_n3A_1250, %select_n3A_1231 : vector<16xf32>
          %select_n3A_1252 = arith.select %lt3A_1251, %select_n3A_1250, %select_n3A_1231 : vector<16xi1>, vector<16xf32>
          %select_n3A_1253 = arith.select %lt3A_1251, %add3A_1235, %select_n3A_1232 : vector<16xi1>, vector<16xi32>
          %reduce_min3A_1254 = arith.constant true
          %reduce_min3A_1255 = vector.broadcast %reduce_min3A_1254 : i1 to vector<16xi1>
          %reduce_min3A_1256 = tpu.scan <min>, %select_n3A_1252 masked %reduce_min3A_1255 : vector<16xf32>, vector<16xi1> -> vector<16xf32>
          %reduce_min3A_1257 = vector.extract %reduce_min3A_1256[15] : f32 from vector<16xf32>
          %eq3A_1258 = vector.broadcast %reduce_min3A_1257 : f32 to vector<16xf32>
          %eq3A_1259 = arith.cmpf oeq, %select_n3A_1252, %eq3A_1258 : vector<16xf32>
          %jit3A_1260 = arith.constant 128 : i32
          %broadcast_in_dim3A_1261 = vector.broadcast %jit3A_1260 : i32 to vector<16xi32>
          %select_n3A_1262 = arith.select %eq3A_1259, %select_n3A_1253, %broadcast_in_dim3A_1261 : vector<16xi1>, vector<16xi32>
          %reduce_min3A_1263 = arith.constant true
          %reduce_min3A_1264 = vector.broadcast %reduce_min3A_1263 : i1 to vector<16xi1>
          %reduce_min3A_1265 = arith.constant -2147483648 : i32
          %reduce_min3A_1266 = vector.broadcast %reduce_min3A_1265 : i32 to vector<16xi32>
          %reduce_min3A_1267 = arith.xori %select_n3A_1262, %reduce_min3A_1266 : vector<16xi32>
          %reduce_min3A_1268 = tpu.scan <min>, %reduce_min3A_1267 masked %reduce_min3A_1264 : vector<16xi32>, vector<16xi1> -> vector<16xi32>
          %reduce_min3A_1269 = arith.xori %reduce_min3A_1268, %reduce_min3A_1266 : vector<16xi32>
          %reduce_min3A_1270 = vector.extract %reduce_min3A_1269[15] : i32 from vector<16xi32>
          %eq3A_1271 = vector.broadcast %reduce_min3A_1079 : i32 to vector<16xi32>
          %eq3A_1272 = arith.cmpi eq, %iota3A, %eq3A_1271 : vector<16xi32>
          %broadcast_in_dim3A_1273 = vector.broadcast %reduce_min3A_1257 : f32 to vector<16xf32>
          %select_n3A_1274 = arith.select %eq3A_1272, %broadcast_in_dim3A_1273, %get3A_1066 : vector<16xi1>, vector<16xf32>
          %swap3A_1275 = arith.index_cast %multiple_of3A_1064 : i32 to index
          %swap3A_1276 = tpu.vector_load %arg7[%swap3A_1275] {strides = array<i32>} : memref<1024xf32, #tpu.memory_space<vmem>>, vector<16xf32>,
          tpu.vector_store %arg7[%swap3A_1275], %select_n3A_1274 {strides = array<i32>} : memref<1024xf32, #tpu.memory_space<vmem>>, vector<16xf32>,
          %mul3A_1277 = arith.constant 16 : i32
          %mul3A_1278 = arith.muli %mul3A_1277, %reduce_min3A_1061 : i32
          %multiple_of3A_1279 = tpu.assume_multiple %mul3A_1278, 16 : i32
          %get3A_1280 = arith.index_cast %multiple_of3A_1279 : i32 to index
          %get3A_1281 = tpu.vector_load %arg7[%get3A_1280] {strides = array<i32>} : memref<1024xf32, #tpu.memory_space<vmem>>, vector<16xf32>,
          %reduce_min3A_1282 = arith.constant true
          %reduce_min3A_1283 = vector.broadcast %reduce_min3A_1282 : i1 to vector<16xi1>
          %reduce_min3A_1284 = tpu.scan <min>, %get3A_1281 masked %reduce_min3A_1283 : vector<16xf32>, vector<16xi1> -> vector<16xf32>
          %reduce_min3A_1285 = vector.extract %reduce_min3A_1284[15] : f32 from vector<16xf32>
          %jit3A_1286 = arith.constant 16 : i32
          %div3A_1287 = arith.divsi %reduce_min3A_1061, %jit3A_1286 : i32
          %sign3A_1288 = arith.constant 0 : i32
          %sign3A_1289 = arith.cmpi sgt, %reduce_min3A_1061, %sign3A_1288 : i32
          %sign3A_1290 = arith.extui %sign3A_1289 : i1 to i32
          %sign3A_1291 = arith.constant 0 : i32
          %sign3A_1292 = arith.cmpi slt, %reduce_min3A_1061, %sign3A_1291 : i32
          %sign3A_1293 = arith.extui %sign3A_1292 : i1 to i32
          %sign3A_1294 = arith.subi %sign3A_1290, %sign3A_1293 : i32
          %sign3A_1295 = arith.constant 0 : i32
          %sign3A_1296 = arith.cmpi sgt, %jit3A_1286, %sign3A_1295 : i32
          %sign3A_1297 = arith.extui %sign3A_1296 : i1 to i32
          %sign3A_1298 = arith.constant 0 : i32
          %sign3A_1299 = arith.cmpi slt, %jit3A_1286, %sign3A_1298 : i32
          %sign3A_1300 = arith.extui %sign3A_1299 : i1 to i32
          %sign3A_1301 = arith.subi %sign3A_1297, %sign3A_1300 : i32
          %ne3A_1302 = arith.cmpi ne, %sign3A_1294, %sign3A_1301 : i32
          %rem3A_1303 = arith.remsi %reduce_min3A_1061, %jit3A_1286 : i32
          %ne3A_1304 = arith.constant 0 : i32
          %ne3A_1305 = arith.cmpi ne, %rem3A_1303, %ne3A_1304 : i32
          %and3A_1306 = arith.andi %ne3A_1302, %ne3A_1305 : i1
          %sub3A_1307 = arith.constant 1 : i32
          %sub3A_1308 = arith.subi %div3A_1287, %sub3A_1307 : i32
          %select_n3A_1309 = arith.select %and3A_1306, %sub3A_1308, %div3A_1287 : i32
          %mul3A_1310 = arith.constant 16 : i32
          %mul3A_1311 = arith.muli %mul3A_1310, %select_n3A_1309 : i32
          %multiple_of3A_1312 = tpu.assume_multiple %mul3A_1311, 16 : i32
          %get3A_1313 = arith.index_cast %multiple_of3A_1312 : i32 to index
          %get3A_1314 = tpu.vector_load %arg8[%get3A_1313] {strides = array<i32>} : memref<64xf32, #tpu.memory_space<vmem>>, vector<16xf32>,
          %jit3A_1315 = arith.constant 16 : i32
          %eq3A_1316 = arith.constant 0 : i32
          %eq3A_1317 = arith.cmpi eq, %jit3A_1315, %eq3A_1316 : i32
          %jit3A_1318 = arith.constant 1 : i32
          %select_n3A_1319 = arith.select %eq3A_1317, %jit3A_1318, %jit3A_1315 : i32
          %rem3A_1320 = arith.remsi %reduce_min3A_1061, %select_n3A_1319 : i32
          %ne3A_1321 = arith.constant 0 : i32
          %ne3A_1322 = arith.cmpi ne, %rem3A_1320, %ne3A_1321 : i32
          %lt3A_1323 = arith.constant 0 : i32
          %lt3A_1324 = arith.cmpi slt, %rem3A_1320, %lt3A_1323 : i32
          %lt3A_1325 = arith.constant 0 : i32
          %lt3A_1326 = arith.cmpi slt, %select_n3A_1319, %lt3A_1325 : i32
          %ne3A_1327 = arith.xori %lt3A_1324, %lt3A_1326 : i1
          %and3A_1328 = arith.andi %ne3A_1327, %ne3A_1322 : i1
          %add3A_1329 = arith.addi %rem3A_1320, %select_n3A_1319 : i32
          %select_n3A_1330 = arith.select %and3A_1328, %add3A_1329, %rem3A_1320 : i32
          %eq3A_1331 = vector.broadcast %select_n3A_1330 : i32 to vector<16xi32>
          %eq3A_1332 = arith.cmpi eq, %iota3A, %eq3A_1331 : vector<16xi32>
          %broadcast_in_dim3A_1333 = vector.broadcast %reduce_min3A_1285 : f32 to vector<16xf32>
          %select_n3A_1334 = arith.select %eq3A_1332, %broadcast_in_dim3A_1333, %get3A_1314 : vector<16xi1>, vector<16xf32>
          %swap3A_1335 = arith.index_cast %multiple_of3A_1312 : i32 to index
          %swap3A_1336 = tpu.vector_load %arg8[%swap3A_1335] {strides = array<i32>} : memref<64xf32, #tpu.memory_space<vmem>>, vector<16xf32>,
          tpu.vector_store %arg8[%swap3A_1335], %select_n3A_1334 {strides = array<i32>} : memref<64xf32, #tpu.memory_space<vmem>>, vector<16xf32>,
          %eq3A_1337 = arith.cmpf oeq, %reduce_min3A_1257, %reduce_min3A_1015 : f32
          scf.yield %eq3A_1337, %add3A_1082, %reduce_min3A_1270 : i1, i32, i32
        }
        %jit3A = arith.constant 16 : i32
        %div3A = arith.divsi %while3A_833#2, %jit3A : i32
        %sign3A = arith.constant 0 : i32
        %sign3A_834 = arith.cmpi sgt, %while3A_833#2, %sign3A : i32
        %sign3A_835 = arith.extui %sign3A_834 : i1 to i32
        %sign3A_836 = arith.constant 0 : i32
        %sign3A_837 = arith.cmpi slt, %while3A_833#2, %sign3A_836 : i32
        %sign3A_838 = arith.extui %sign3A_837 : i1 to i32
        %sign3A_839 = arith.subi %sign3A_835, %sign3A_838 : i32
        %sign3A_840 = arith.constant 0 : i32
        %sign3A_841 = arith.cmpi sgt, %jit3A, %sign3A_840 : i32
        %sign3A_842 = arith.extui %sign3A_841 : i1 to i32
        %sign3A_843 = arith.constant 0 : i32
        %sign3A_844 = arith.cmpi slt, %jit3A, %sign3A_843 : i32
        %sign3A_845 = arith.extui %sign3A_844 : i1 to i32
        %sign3A_846 = arith.subi %sign3A_842, %sign3A_845 : i32
        %ne3A = arith.cmpi ne, %sign3A_839, %sign3A_846 : i32
        %rem3A = arith.remsi %while3A_833#2, %jit3A : i32
        %ne3A_847 = arith.constant 0 : i32
        %ne3A_848 = arith.cmpi ne, %rem3A, %ne3A_847 : i32
        %and3A = arith.andi %ne3A, %ne3A_848 : i1
        %sub3A = arith.constant 1 : i32
        %sub3A_849 = arith.subi %div3A, %sub3A : i32
        %select_n3A_850 = arith.select %and3A, %sub3A_849, %div3A : i32
        %mul3A_851 = arith.constant 16 : i32
        %mul3A_852 = arith.muli %mul3A_851, %select_n3A_850 : i32
        %multiple_of3A = tpu.assume_multiple %mul3A_852, 16 : i32
        %jit3A_853 = arith.constant 16 : i32
        %eq3A_854 = arith.constant 0 : i32
        %eq3A_855 = arith.cmpi eq, %jit3A_853, %eq3A_854 : i32
        %jit3A_856 = arith.constant 1 : i32
        %select_n3A_857 = arith.select %eq3A_855, %jit3A_856, %jit3A_853 : i32
        %rem3A_858 = arith.remsi %while3A_833#2, %select_n3A_857 : i32
        %ne3A_859 = arith.constant 0 : i32
        %ne3A_860 = arith.cmpi ne, %rem3A_858, %ne3A_859 : i32
        %lt3A_861 = arith.constant 0 : i32
        %lt3A_862 = arith.cmpi slt, %rem3A_858, %lt3A_861 : i32
        %lt3A_863 = arith.constant 0 : i32
        %lt3A_864 = arith.cmpi slt, %select_n3A_857, %lt3A_863 : i32
        %ne3A_865 = arith.xori %lt3A_862, %lt3A_864 : i1
        %and3A_866 = arith.andi %ne3A_865, %ne3A_860 : i1
        %add3A_867 = arith.addi %rem3A_858, %select_n3A_857 : i32
        %select_n3A_868 = arith.select %and3A_866, %add3A_867, %rem3A_858 : i32
        %get3A_869 = arith.index_cast %multiple_of3A : i32 to index
        %get3A_870 = tpu.vector_load %arg10[%get3A_869] {strides = array<i32>} : memref<128xi32, #tpu.memory_space<vmem>>, vector<16xi32>,
        %eq3A_871 = vector.broadcast %select_n3A_868 : i32 to vector<16xi32>
        %eq3A_872 = arith.cmpi eq, %iota3A, %eq3A_871 : vector<16xi32>
        %broadcast_in_dim3A_873 = vector.broadcast %while3A_833#1 : i32 to vector<16xi32>
        %select_n3A_874 = arith.select %eq3A_872, %broadcast_in_dim3A_873, %get3A_870 : vector<16xi1>, vector<16xi32>
        %swap3A_875 = arith.index_cast %multiple_of3A : i32 to index
        %swap3A_876 = tpu.vector_load %arg10[%swap3A_875] {strides = array<i32>} : memref<128xi32, #tpu.memory_space<vmem>>, vector<16xi32>,
        tpu.vector_store %arg10[%swap3A_875], %select_n3A_874 {strides = array<i32>} : memref<128xi32, #tpu.memory_space<vmem>>, vector<16xi32>,
        %get3A_877 = arith.index_cast %multiple_of3A : i32 to index
        %get3A_878 = tpu.vector_load %arg9[%get3A_877] {strides = array<i32>} : memref<128xf32, #tpu.memory_space<vmem>>, vector<16xf32>,
        %eq3A_879 = vector.broadcast %select_n3A_868 : i32 to vector<16xi32>
        %eq3A_880 = arith.cmpi eq, %iota3A, %eq3A_879 : vector<16xi32>
        %jit3A_881 = arith.constant 1.000000e+30 : f32
        %broadcast_in_dim3A_882 = vector.broadcast %jit3A_881 : f32 to vector<16xf32>
        %select_n3A_883 = arith.select %eq3A_880, %broadcast_in_dim3A_882, %get3A_878 : vector<16xi1>, vector<16xf32>
        %swap3A_884 = arith.index_cast %multiple_of3A : i32 to index
        %swap3A_885 = tpu.vector_load %arg9[%swap3A_884] {strides = array<i32>} : memref<128xf32, #tpu.memory_space<vmem>>, vector<16xf32>,
        tpu.vector_store %arg9[%swap3A_884], %select_n3A_883 {strides = array<i32>} : memref<128xf32, #tpu.memory_space<vmem>>, vector<16xf32>,
        %jit3A_886 = arith.constant 16 : i32
        %div3A_887 = arith.divsi %while3A_833#1, %jit3A_886 : i32
        %sign3A_888 = arith.constant 0 : i32
        %sign3A_889 = arith.cmpi sgt, %while3A_833#1, %sign3A_888 : i32
        %sign3A_890 = arith.extui %sign3A_889 : i1 to i32
        %sign3A_891 = arith.constant 0 : i32
        %sign3A_892 = arith.cmpi slt, %while3A_833#1, %sign3A_891 : i32
        %sign3A_893 = arith.extui %sign3A_892 : i1 to i32
        %sign3A_894 = arith.subi %sign3A_890, %sign3A_893 : i32
        %sign3A_895 = arith.constant 0 : i32
        %sign3A_896 = arith.cmpi sgt, %jit3A_886, %sign3A_895 : i32
        %sign3A_897 = arith.extui %sign3A_896 : i1 to i32
        %sign3A_898 = arith.constant 0 : i32
        %sign3A_899 = arith.cmpi slt, %jit3A_886, %sign3A_898 : i32
        %sign3A_900 = arith.extui %sign3A_899 : i1 to i32
        %sign3A_901 = arith.subi %sign3A_897, %sign3A_900 : i32
        %ne3A_902 = arith.cmpi ne, %sign3A_894, %sign3A_901 : i32
        %rem3A_903 = arith.remsi %while3A_833#1, %jit3A_886 : i32
        %ne3A_904 = arith.constant 0 : i32
        %ne3A_905 = arith.cmpi ne, %rem3A_903, %ne3A_904 : i32
        %and3A_906 = arith.andi %ne3A_902, %ne3A_905 : i1
        %sub3A_907 = arith.constant 1 : i32
        %sub3A_908 = arith.subi %div3A_887, %sub3A_907 : i32
        %select_n3A_909 = arith.select %and3A_906, %sub3A_908, %div3A_887 : i32
        %mul3A_910 = arith.constant 16 : i32
        %mul3A_911 = arith.muli %mul3A_910, %select_n3A_909 : i32
        %multiple_of3A_912 = tpu.assume_multiple %mul3A_911, 16 : i32
        %get3A_913 = arith.index_cast %multiple_of3A_912 : i32 to index
        %get3A_914 = tpu.vector_load %arg7[%get3A_913] {strides = array<i32>} : memref<1024xf32, #tpu.memory_space<vmem>>, vector<16xf32>,
        %jit3A_915 = arith.constant 16 : i32
        %eq3A_916 = arith.constant 0 : i32
        %eq3A_917 = arith.cmpi eq, %jit3A_915, %eq3A_916 : i32
        %jit3A_918 = arith.constant 1 : i32
        %select_n3A_919 = arith.select %eq3A_917, %jit3A_918, %jit3A_915 : i32
        %rem3A_920 = arith.remsi %while3A_833#1, %select_n3A_919 : i32
        %ne3A_921 = arith.constant 0 : i32
        %ne3A_922 = arith.cmpi ne, %rem3A_920, %ne3A_921 : i32
        %lt3A_923 = arith.constant 0 : i32
        %lt3A_924 = arith.cmpi slt, %rem3A_920, %lt3A_923 : i32
        %lt3A_925 = arith.constant 0 : i32
        %lt3A_926 = arith.cmpi slt, %select_n3A_919, %lt3A_925 : i32
        %ne3A_927 = arith.xori %lt3A_924, %lt3A_926 : i1
        %and3A_928 = arith.andi %ne3A_927, %ne3A_922 : i1
        %add3A_929 = arith.addi %rem3A_920, %select_n3A_919 : i32
        %select_n3A_930 = arith.select %and3A_928, %add3A_929, %rem3A_920 : i32
        %eq3A_931 = vector.broadcast %select_n3A_930 : i32 to vector<16xi32>
        %eq3A_932 = arith.cmpi eq, %iota3A, %eq3A_931 : vector<16xi32>
        %jit3A_933 = arith.constant 1.000000e+30 : f32
        %broadcast_in_dim3A_934 = vector.broadcast %jit3A_933 : f32 to vector<16xf32>
        %select_n3A_935 = arith.select %eq3A_932, %broadcast_in_dim3A_934, %get3A_914 : vector<16xi1>, vector<16xf32>
        %swap3A_936 = arith.index_cast %multiple_of3A_912 : i32 to index
        %swap3A_937 = tpu.vector_load %arg7[%swap3A_936] {strides = array<i32>} : memref<1024xf32, #tpu.memory_space<vmem>>, vector<16xf32>,
        tpu.vector_store %arg7[%swap3A_936], %select_n3A_935 {strides = array<i32>} : memref<1024xf32, #tpu.memory_space<vmem>>, vector<16xf32>,
        %mul3A_938 = arith.constant 16 : i32
        %mul3A_939 = arith.muli %mul3A_938, %select_n3A_909 : i32
        %multiple_of3A_940 = tpu.assume_multiple %mul3A_939, 16 : i32
        %get3A_941 = arith.index_cast %multiple_of3A_940 : i32 to index
        %get3A_942 = tpu.vector_load %arg7[%get3A_941] {strides = array<i32>} : memref<1024xf32, #tpu.memory_space<vmem>>, vector<16xf32>,
        %reduce_min3A_943 = arith.constant true
        %reduce_min3A_944 = vector.broadcast %reduce_min3A_943 : i1 to vector<16xi1>
        %reduce_min3A_945 = tpu.scan <min>, %get3A_942 masked %reduce_min3A_944 : vector<16xf32>, vector<16xi1> -> vector<16xf32>
        %reduce_min3A_946 = vector.extract %reduce_min3A_945[15] : f32 from vector<16xf32>
        %jit3A_947 = arith.constant 16 : i32
        %div3A_948 = arith.divsi %select_n3A_909, %jit3A_947 : i32
        %sign3A_949 = arith.constant 0 : i32
        %sign3A_950 = arith.cmpi sgt, %select_n3A_909, %sign3A_949 : i32
        %sign3A_951 = arith.extui %sign3A_950 : i1 to i32
        %sign3A_952 = arith.constant 0 : i32
        %sign3A_953 = arith.cmpi slt, %select_n3A_909, %sign3A_952 : i32
        %sign3A_954 = arith.extui %sign3A_953 : i1 to i32
        %sign3A_955 = arith.subi %sign3A_951, %sign3A_954 : i32
        %sign3A_956 = arith.constant 0 : i32
        %sign3A_957 = arith.cmpi sgt, %jit3A_947, %sign3A_956 : i32
        %sign3A_958 = arith.extui %sign3A_957 : i1 to i32
        %sign3A_959 = arith.constant 0 : i32
        %sign3A_960 = arith.cmpi slt, %jit3A_947, %sign3A_959 : i32
        %sign3A_961 = arith.extui %sign3A_960 : i1 to i32
        %sign3A_962 = arith.subi %sign3A_958, %sign3A_961 : i32
        %ne3A_963 = arith.cmpi ne, %sign3A_955, %sign3A_962 : i32
        %rem3A_964 = arith.remsi %select_n3A_909, %jit3A_947 : i32
        %ne3A_965 = arith.constant 0 : i32
        %ne3A_966 = arith.cmpi ne, %rem3A_964, %ne3A_965 : i32
        %and3A_967 = arith.andi %ne3A_963, %ne3A_966 : i1
        %sub3A_968 = arith.constant 1 : i32
        %sub3A_969 = arith.subi %div3A_948, %sub3A_968 : i32
        %select_n3A_970 = arith.select %and3A_967, %sub3A_969, %div3A_948 : i32
        %mul3A_971 = arith.constant 16 : i32
        %mul3A_972 = arith.muli %mul3A_971, %select_n3A_970 : i32
        %multiple_of3A_973 = tpu.assume_multiple %mul3A_972, 16 : i32
        %get3A_974 = arith.index_cast %multiple_of3A_973 : i32 to index
        %get3A_975 = tpu.vector_load %arg8[%get3A_974] {strides = array<i32>} : memref<64xf32, #tpu.memory_space<vmem>>, vector<16xf32>,
        %jit3A_976 = arith.constant 16 : i32
        %eq3A_977 = arith.constant 0 : i32
        %eq3A_978 = arith.cmpi eq, %jit3A_976, %eq3A_977 : i32
        %jit3A_979 = arith.constant 1 : i32
        %select_n3A_980 = arith.select %eq3A_978, %jit3A_979, %jit3A_976 : i32
        %rem3A_981 = arith.remsi %select_n3A_909, %select_n3A_980 : i32
        %ne3A_982 = arith.constant 0 : i32
        %ne3A_983 = arith.cmpi ne, %rem3A_981, %ne3A_982 : i32
        %lt3A_984 = arith.constant 0 : i32
        %lt3A_985 = arith.cmpi slt, %rem3A_981, %lt3A_984 : i32
        %lt3A_986 = arith.constant 0 : i32
        %lt3A_987 = arith.cmpi slt, %select_n3A_980, %lt3A_986 : i32
        %ne3A_988 = arith.xori %lt3A_985, %lt3A_987 : i1
        %and3A_989 = arith.andi %ne3A_988, %ne3A_983 : i1
        %add3A_990 = arith.addi %rem3A_981, %select_n3A_980 : i32
        %select_n3A_991 = arith.select %and3A_989, %add3A_990, %rem3A_981 : i32
        %eq3A_992 = vector.broadcast %select_n3A_991 : i32 to vector<16xi32>
        %eq3A_993 = arith.cmpi eq, %iota3A, %eq3A_992 : vector<16xi32>
        %broadcast_in_dim3A_994 = vector.broadcast %reduce_min3A_946 : f32 to vector<16xf32>
        %select_n3A_995 = arith.select %eq3A_993, %broadcast_in_dim3A_994, %get3A_975 : vector<16xi1>, vector<16xf32>
        %swap3A_996 = arith.index_cast %multiple_of3A_973 : i32 to index
        %swap3A_997 = tpu.vector_load %arg8[%swap3A_996] {strides = array<i32>} : memref<64xf32, #tpu.memory_space<vmem>>, vector<16xf32>,
        tpu.vector_store %arg8[%swap3A_996], %select_n3A_995 {strides = array<i32>} : memref<64xf32, #tpu.memory_space<vmem>>, vector<16xf32>,
        %scan3A_998 = arith.constant 0 : i32
        scf.yield %scan3A_998 : i32
      }
      %scan3A_828 = arith.constant 100 : i32
      "tpu.region"() ({
        %run_scoped3A_829 = tpu.sem_alloc : memref<!tpu.dma_semaphore, #tpu.memory_space<semaphore_mem>>
        %dma_start3A = arith.constant 0 : i32
        %dma_start3A_830 = tpu.memref_slice %arg4[%add3A, %dma_start3A] : memref<8x128xi32, #tpu.memory_space<hbm>> -> memref<1x128xi32, #tpu.memory_space<hbm>>
        %dma_start3A_831 = tpu.memref_squeeze %dma_start3A_830 : memref<1x128xi32, #tpu.memory_space<hbm>> -> memref<128xi32, #tpu.memory_space<hbm>>
        %dma_start3A_832 = arith.constant 0 : i32
        %dma_start3A_833 = tpu.memref_slice %arg4[%add3A, %dma_start3A_832] : memref<8x128xi32, #tpu.memory_space<hbm>> -> memref<1x128xi32, #tpu.memory_space<hbm>>
        %dma_start3A_834 = tpu.memref_squeeze %dma_start3A_833 : memref<1x128xi32, #tpu.memory_space<hbm>> -> memref<128xi32, #tpu.memory_space<hbm>>
        tpu.enqueue_dma source(%arg10 : memref<128xi32, #tpu.memory_space<vmem>>) target(%dma_start3A_834 : memref<128xi32, #tpu.memory_space<hbm>>) target_semaphore(%run_scoped3A_829 : memref<!tpu.dma_semaphore, #tpu.memory_space<semaphore_mem>>)
        %dma_wait3A = arith.constant 0 : i32
        %dma_wait3A_835 = tpu.memref_slice %arg4[%add3A, %dma_wait3A] : memref<8x128xi32, #tpu.memory_space<hbm>> -> memref<1x128xi32, #tpu.memory_space<hbm>>
        %dma_wait3A_836 = tpu.memref_squeeze %dma_wait3A_835 : memref<1x128xi32, #tpu.memory_space<hbm>> -> memref<128xi32, #tpu.memory_space<hbm>>
        %dma_wait3A_837 = arith.constant 0 : i32
        %dma_wait3A_838 = tpu.memref_slice %arg4[%add3A, %dma_wait3A_837] : memref<8x128xi32, #tpu.memory_space<hbm>> -> memref<1x128xi32, #tpu.memory_space<hbm>>
        %dma_wait3A_839 = tpu.memref_squeeze %dma_wait3A_838 : memref<1x128xi32, #tpu.memory_space<hbm>> -> memref<128xi32, #tpu.memory_space<hbm>>
        tpu.wait_dma2 semaphore(%run_scoped3A_829 : memref<!tpu.dma_semaphore, #tpu.memory_space<semaphore_mem>>) src(%arg10 : memref<128xi32, #tpu.memory_space<vmem>>) dst(%dma_wait3A_839 : memref<128xi32, #tpu.memory_space<hbm>>)
        tpu.yield
      }) : () -> ()
      "tpu.region"() ({
        %run_scoped3A_829 = tpu.sem_alloc : memref<!tpu.dma_semaphore, #tpu.memory_space<semaphore_mem>>
        %dma_start3A = arith.constant 0 : i32
        %dma_start3A_830 = tpu.memref_slice %arg5[%add3A, %dma_start3A] : memref<8x128xi32, #tpu.memory_space<hbm>> -> memref<1x128xi32, #tpu.memory_space<hbm>>
        %dma_start3A_831 = tpu.memref_squeeze %dma_start3A_830 : memref<1x128xi32, #tpu.memory_space<hbm>> -> memref<128xi32, #tpu.memory_space<hbm>>
        %dma_start3A_832 = arith.constant 0 : i32
        %dma_start3A_833 = tpu.memref_slice %arg5[%add3A, %dma_start3A_832] : memref<8x128xi32, #tpu.memory_space<hbm>> -> memref<1x128xi32, #tpu.memory_space<hbm>>
        %dma_start3A_834 = tpu.memref_squeeze %dma_start3A_833 : memref<1x128xi32, #tpu.memory_space<hbm>> -> memref<128xi32, #tpu.memory_space<hbm>>
        tpu.enqueue_dma source(%arg11 : memref<128xi32, #tpu.memory_space<vmem>>) target(%dma_start3A_834 : memref<128xi32, #tpu.memory_space<hbm>>) target_semaphore(%run_scoped3A_829 : memref<!tpu.dma_semaphore, #tpu.memory_space<semaphore_mem>>)
        %dma_wait3A = arith.constant 0 : i32
        %dma_wait3A_835 = tpu.memref_slice %arg5[%add3A, %dma_wait3A] : memref<8x128xi32, #tpu.memory_space<hbm>> -> memref<1x128xi32, #tpu.memory_space<hbm>>
        %dma_wait3A_836 = tpu.memref_squeeze %dma_wait3A_835 : memref<1x128xi32, #tpu.memory_space<hbm>> -> memref<128xi32, #tpu.memory_space<hbm>>
        %dma_wait3A_837 = arith.constant 0 : i32
        %dma_wait3A_838 = tpu.memref_slice %arg5[%add3A, %dma_wait3A_837] : memref<8x128xi32, #tpu.memory_space<hbm>> -> memref<1x128xi32, #tpu.memory_space<hbm>>
        %dma_wait3A_839 = tpu.memref_squeeze %dma_wait3A_838 : memref<1x128xi32, #tpu.memory_space<hbm>> -> memref<128xi32, #tpu.memory_space<hbm>>
        tpu.wait_dma2 semaphore(%run_scoped3A_829 : memref<!tpu.dma_semaphore, #tpu.memory_space<semaphore_mem>>) src(%arg11 : memref<128xi32, #tpu.memory_space<vmem>>) dst(%dma_wait3A_839 : memref<128xi32, #tpu.memory_space<hbm>>)
        tpu.yield
      }) : () -> ()
    } else {
    }
    return
  }
}

module attributes {stable_mosaic.version = 14 : i64} {
  func.func @_cost_body(%arg0: i32, %arg1: memref<1x900x256xf32, #tpu.memory_space<vmem>>, %arg2: memref<1x900x4xf32, #tpu.memory_space<vmem>>, %arg3: memref<1x4x100xf32, #tpu.memory_space<vmem>>, %arg4: memref<1x4x100xi32, #tpu.memory_space<vmem>>, %arg5: memref<1x900x100xf32, #tpu.memory_space<vmem>>, %arg6: memref<1x912x128xf32, #tpu.memory_space<vmem>>, %arg7: memref<1x1x1024xf32, #tpu.memory_space<vmem>>) attributes {dimension_semantics = [#tpu.dimension_semantics<arbitrary>], iteration_bounds = array<i64: 8>, scalar_prefetch = 0 : i64, scratch_operands = 0 : i64, tpu.core_type = #tpu.core_type<tc>, window_params = [{transform_indices = @transform_0, window_bounds = array<i64: 1, 900, 256>}, {transform_indices = @transform_1, window_bounds = array<i64: 1, 900, 4>}, {transform_indices = @transform_2, window_bounds = array<i64: 1, 4, 100>}, {transform_indices = @transform_3, window_bounds = array<i64: 1, 4, 100>}, {transform_indices = @transform_4, window_bounds = array<i64: 1, 900, 100>}, {transform_indices = @transform_5, window_bounds = array<i64: 1, 912, 128>}, {transform_indices = @transform_6, window_bounds = array<i64: 1, 1, 1024>}]} {
    %get3A = arith.constant 0 : index
    %get3A_0 = arith.constant 0 : index
    %get3A_1 = arith.constant 0 : index
    %get3A_2 = vector.load %arg1[%get3A, %get3A_0, %get3A_1] : memref<1x900x256xf32, #tpu.memory_space<vmem>>, vector<1x900x256xf32>
    %get3A_3 = vector.shape_cast %get3A_2 : vector<1x900x256xf32> to vector<900x256xf32>
    %logistic3A = arith.negf %get3A_3 : vector<900x256xf32>
    %logistic3A_4 = math.exp %logistic3A : vector<900x256xf32>
    %logistic3A_5 = arith.constant 1.000000e+00 : f32
    %logistic3A_6 = vector.broadcast %logistic3A_5 : f32 to vector<900x256xf32>
    %logistic3A_7 = arith.addf %logistic3A_6, %logistic3A_4 : vector<900x256xf32>
    %logistic3A_8 = arith.divf %logistic3A_6, %logistic3A_7 : vector<900x256xf32>
    %sub3A = arith.constant 1.000000e+00 : f32
    %sub3A_9 = vector.broadcast %sub3A : f32 to vector<900x256xf32>
    %sub3A_10 = arith.subf %sub3A_9, %logistic3A_8 : vector<900x256xf32>
    %mul3A = arith.mulf %logistic3A_8, %logistic3A_8 : vector<900x256xf32>
    %mul3A_11 = arith.constant 7.500000e-01 : f32
    %mul3A_12 = vector.broadcast %mul3A_11 : f32 to vector<900x256xf32>
    %mul3A_13 = arith.mulf %mul3A_12, %mul3A : vector<900x256xf32>
    %log3A = math.log %sub3A_10 : vector<900x256xf32>
    %neg3A = arith.constant 0.000000e+00 : f32
    %neg3A_14 = vector.broadcast %neg3A : f32 to vector<900x256xf32>
    %neg3A_15 = arith.subf %neg3A_14, %log3A : vector<900x256xf32>
    %mul3A_16 = arith.mulf %mul3A_13, %neg3A_15 : vector<900x256xf32>
    %mul3A_17 = arith.mulf %sub3A_10, %sub3A_10 : vector<900x256xf32>
    %mul3A_18 = arith.constant 2.500000e-01 : f32
    %mul3A_19 = vector.broadcast %mul3A_18 : f32 to vector<900x256xf32>
    %mul3A_20 = arith.mulf %mul3A_19, %mul3A_17 : vector<900x256xf32>
    %add3A = arith.constant 9.99999993E-9 : f32
    %add3A_21 = vector.broadcast %add3A : f32 to vector<900x256xf32>
    %add3A_22 = arith.addf %logistic3A_8, %add3A_21 : vector<900x256xf32>
    %log3A_23 = math.log %add3A_22 : vector<900x256xf32>
    %neg3A_24 = arith.constant 0.000000e+00 : f32
    %neg3A_25 = vector.broadcast %neg3A_24 : f32 to vector<900x256xf32>
    %neg3A_26 = arith.subf %neg3A_25, %log3A_23 : vector<900x256xf32>
    %mul3A_27 = arith.mulf %mul3A_20, %neg3A_26 : vector<900x256xf32>
    %sub3A_28 = arith.subf %mul3A_27, %mul3A_16 : vector<900x256xf32>
    %iota3A = tpu.iota {dimensions = array<i32: 0>} : vector<256x100xi32>
    %get3A_29 = arith.constant 0 : index
    %get3A_30 = arith.constant 0 : index
    %get3A_31 = arith.constant 0 : index
    %get3A_32 = vector.load %arg4[%get3A_29, %get3A_30, %get3A_31] : memref<1x4x100xi32, #tpu.memory_space<vmem>>, vector<1x1x100xi32>
    %get3A_33 = vector.shape_cast %get3A_32 : vector<1x1x100xi32> to vector<1x100xi32>
    %eq3A = vector.broadcast %get3A_33 : vector<1x100xi32> to vector<256x100xi32>
    %eq3A_34 = arith.cmpi eq, %iota3A, %eq3A : vector<256x100xi32>
    %convert_element_type3A = arith.extui %eq3A_34 : vector<256x100xi1> to vector<256x100xi32>
    %convert_element_type3A_35 = arith.sitofp %convert_element_type3A : vector<256x100xi32> to vector<256x100xf32>
    %dot_general3A = arith.constant dense<0.000000e+00> : vector<900x100xf32>
    %dot_general3A_36 = tpu.matmul %sub3A_28, %convert_element_type3A_35, %dot_general3A {dimension_numbers = #tpu.dot_dimension_numbers<[1], [0], [0], [1], [0, 0, 1, 1], [], []>, precision = #tpu.contract_precision<fp32>, transpose_lhs_hint = false} : vector<900x256xf32>, vector<256x100xf32>, vector<900x100xf32> -> vector<900x100xf32>
    %get3A_37 = arith.constant 0 : index
    %get3A_38 = arith.constant 1 : index
    %get3A_39 = arith.constant 0 : index
    %get3A_40 = vector.load %arg4[%get3A_37, %get3A_38, %get3A_39] : memref<1x4x100xi32, #tpu.memory_space<vmem>>, vector<1x1x100xi32>
    %get3A_41 = vector.shape_cast %get3A_40 : vector<1x1x100xi32> to vector<1x100xi32>
    %eq3A_42 = vector.broadcast %get3A_41 : vector<1x100xi32> to vector<256x100xi32>
    %eq3A_43 = arith.cmpi eq, %iota3A, %eq3A_42 : vector<256x100xi32>
    %convert_element_type3A_44 = arith.extui %eq3A_43 : vector<256x100xi1> to vector<256x100xi32>
    %convert_element_type3A_45 = arith.sitofp %convert_element_type3A_44 : vector<256x100xi32> to vector<256x100xf32>
    %dot_general3A_46 = arith.constant dense<0.000000e+00> : vector<900x100xf32>
    %dot_general3A_47 = tpu.matmul %sub3A_28, %convert_element_type3A_45, %dot_general3A_46 {dimension_numbers = #tpu.dot_dimension_numbers<[1], [0], [0], [1], [0, 0, 1, 1], [], []>, precision = #tpu.contract_precision<fp32>, transpose_lhs_hint = false} : vector<900x256xf32>, vector<256x100xf32>, vector<900x100xf32> -> vector<900x100xf32>
    %get3A_48 = arith.constant 0 : index
    %get3A_49 = arith.constant 2 : index
    %get3A_50 = arith.constant 0 : index
    %get3A_51 = vector.load %arg4[%get3A_48, %get3A_49, %get3A_50] : memref<1x4x100xi32, #tpu.memory_space<vmem>>, vector<1x1x100xi32>
    %get3A_52 = vector.shape_cast %get3A_51 : vector<1x1x100xi32> to vector<1x100xi32>
    %eq3A_53 = vector.broadcast %get3A_52 : vector<1x100xi32> to vector<256x100xi32>
    %eq3A_54 = arith.cmpi eq, %iota3A, %eq3A_53 : vector<256x100xi32>
    %convert_element_type3A_55 = arith.extui %eq3A_54 : vector<256x100xi1> to vector<256x100xi32>
    %convert_element_type3A_56 = arith.sitofp %convert_element_type3A_55 : vector<256x100xi32> to vector<256x100xf32>
    %dot_general3A_57 = arith.constant dense<0.000000e+00> : vector<900x100xf32>
    %dot_general3A_58 = tpu.matmul %sub3A_28, %convert_element_type3A_56, %dot_general3A_57 {dimension_numbers = #tpu.dot_dimension_numbers<[1], [0], [0], [1], [0, 0, 1, 1], [], []>, precision = #tpu.contract_precision<fp32>, transpose_lhs_hint = false} : vector<900x256xf32>, vector<256x100xf32>, vector<900x100xf32> -> vector<900x100xf32>
    %get3A_59 = arith.constant 0 : index
    %get3A_60 = arith.constant 3 : index
    %get3A_61 = arith.constant 0 : index
    %get3A_62 = vector.load %arg4[%get3A_59, %get3A_60, %get3A_61] : memref<1x4x100xi32, #tpu.memory_space<vmem>>, vector<1x1x100xi32>
    %get3A_63 = vector.shape_cast %get3A_62 : vector<1x1x100xi32> to vector<1x100xi32>
    %eq3A_64 = vector.broadcast %get3A_63 : vector<1x100xi32> to vector<256x100xi32>
    %eq3A_65 = arith.cmpi eq, %iota3A, %eq3A_64 : vector<256x100xi32>
    %convert_element_type3A_66 = arith.extui %eq3A_65 : vector<256x100xi1> to vector<256x100xi32>
    %convert_element_type3A_67 = arith.sitofp %convert_element_type3A_66 : vector<256x100xi32> to vector<256x100xf32>
    %dot_general3A_68 = arith.constant dense<0.000000e+00> : vector<900x100xf32>
    %dot_general3A_69 = tpu.matmul %sub3A_28, %convert_element_type3A_67, %dot_general3A_68 {dimension_numbers = #tpu.dot_dimension_numbers<[1], [0], [0], [1], [0, 0, 1, 1], [], []>, precision = #tpu.contract_precision<fp32>, transpose_lhs_hint = false} : vector<900x256xf32>, vector<256x100xf32>, vector<900x100xf32> -> vector<900x100xf32>
    %add3A_70 = arith.addf %dot_general3A_36, %dot_general3A_47 : vector<900x100xf32>
    %add3A_71 = arith.addf %dot_general3A_58, %dot_general3A_69 : vector<900x100xf32>
    %add3A_72 = arith.addf %add3A_70, %add3A_71 : vector<900x100xf32>
    %mul3A_73 = arith.constant 2.500000e-01 : f32
    %mul3A_74 = vector.broadcast %mul3A_73 : f32 to vector<900x100xf32>
    %mul3A_75 = arith.mulf %add3A_72, %mul3A_74 : vector<900x100xf32>
    %get3A_76 = arith.constant 0 : index
    %get3A_77 = arith.constant 0 : index
    %get3A_78 = arith.constant 0 : index
    %get3A_79 = vector.load %arg2[%get3A_76, %get3A_77, %get3A_78] : memref<1x900x4xf32, #tpu.memory_space<vmem>>, vector<1x900x4xf32>
    %get3A_80 = vector.shape_cast %get3A_79 : vector<1x900x4xf32> to vector<900x4xf32>
    %slice3A = vector.extract_strided_slice %get3A_80 {offsets = [0, 0], sizes = [900, 1], strides = [1, 1]} : vector<900x4xf32> to vector<900x1xf32>
    %slice3A_81 = vector.extract_strided_slice %get3A_80 {offsets = [0, 1], sizes = [900, 1], strides = [1, 1]} : vector<900x4xf32> to vector<900x1xf32>
    %slice3A_82 = vector.extract_strided_slice %get3A_80 {offsets = [0, 2], sizes = [900, 1], strides = [1, 1]} : vector<900x4xf32> to vector<900x1xf32>
    %slice3A_83 = vector.extract_strided_slice %get3A_80 {offsets = [0, 3], sizes = [900, 1], strides = [1, 1]} : vector<900x4xf32> to vector<900x1xf32>
    %get3A_84 = arith.constant 0 : index
    %get3A_85 = arith.constant 0 : index
    %get3A_86 = arith.constant 0 : index
    %get3A_87 = vector.load %arg3[%get3A_84, %get3A_85, %get3A_86] : memref<1x4x100xf32, #tpu.memory_space<vmem>>, vector<1x4x100xf32>
    %get3A_88 = vector.shape_cast %get3A_87 : vector<1x4x100xf32> to vector<4x100xf32>
    %slice3A_89 = vector.extract_strided_slice %get3A_88 {offsets = [0, 0], sizes = [1, 100], strides = [1, 1]} : vector<4x100xf32> to vector<1x100xf32>
    %slice3A_90 = vector.extract_strided_slice %get3A_88 {offsets = [1, 0], sizes = [1, 100], strides = [1, 1]} : vector<4x100xf32> to vector<1x100xf32>
    %slice3A_91 = vector.extract_strided_slice %get3A_88 {offsets = [2, 0], sizes = [1, 100], strides = [1, 1]} : vector<4x100xf32> to vector<1x100xf32>
    %slice3A_92 = vector.extract_strided_slice %get3A_88 {offsets = [3, 0], sizes = [1, 100], strides = [1, 1]} : vector<4x100xf32> to vector<1x100xf32>
    %sub3A_93 = vector.broadcast %slice3A : vector<900x1xf32> to vector<900x100xf32>
    %sub3A_94 = vector.broadcast %slice3A_89 : vector<1x100xf32> to vector<900x100xf32>
    %sub3A_95 = arith.subf %sub3A_93, %sub3A_94 : vector<900x100xf32>
    %abs3A = math.absf %sub3A_95 : vector<900x100xf32>
    %sub3A_96 = vector.broadcast %slice3A_81 : vector<900x1xf32> to vector<900x100xf32>
    %sub3A_97 = vector.broadcast %slice3A_90 : vector<1x100xf32> to vector<900x100xf32>
    %sub3A_98 = arith.subf %sub3A_96, %sub3A_97 : vector<900x100xf32>
    %abs3A_99 = math.absf %sub3A_98 : vector<900x100xf32>
    %add3A_100 = arith.addf %abs3A, %abs3A_99 : vector<900x100xf32>
    %sub3A_101 = vector.broadcast %slice3A_82 : vector<900x1xf32> to vector<900x100xf32>
    %sub3A_102 = vector.broadcast %slice3A_91 : vector<1x100xf32> to vector<900x100xf32>
    %sub3A_103 = arith.subf %sub3A_101, %sub3A_102 : vector<900x100xf32>
    %abs3A_104 = math.absf %sub3A_103 : vector<900x100xf32>
    %add3A_105 = arith.addf %add3A_100, %abs3A_104 : vector<900x100xf32>
    %sub3A_106 = vector.broadcast %slice3A_83 : vector<900x1xf32> to vector<900x100xf32>
    %sub3A_107 = vector.broadcast %slice3A_92 : vector<1x100xf32> to vector<900x100xf32>
    %sub3A_108 = arith.subf %sub3A_106, %sub3A_107 : vector<900x100xf32>
    %abs3A_109 = math.absf %sub3A_108 : vector<900x100xf32>
    %add3A_110 = arith.addf %add3A_105, %abs3A_109 : vector<900x100xf32>
    %mul3A_111 = arith.constant 5.000000e-01 : f32
    %mul3A_112 = vector.broadcast %mul3A_111 : f32 to vector<900x1xf32>
    %mul3A_113 = arith.mulf %mul3A_112, %slice3A_82 : vector<900x1xf32>
    %sub3A_114 = arith.subf %slice3A, %mul3A_113 : vector<900x1xf32>
    %mul3A_115 = arith.constant 5.000000e-01 : f32
    %mul3A_116 = vector.broadcast %mul3A_115 : f32 to vector<900x1xf32>
    %mul3A_117 = arith.mulf %mul3A_116, %slice3A_83 : vector<900x1xf32>
    %sub3A_118 = arith.subf %slice3A_81, %mul3A_117 : vector<900x1xf32>
    %mul3A_119 = arith.constant 5.000000e-01 : f32
    %mul3A_120 = vector.broadcast %mul3A_119 : f32 to vector<900x1xf32>
    %mul3A_121 = arith.mulf %mul3A_120, %slice3A_82 : vector<900x1xf32>
    %add3A_122 = arith.addf %slice3A, %mul3A_121 : vector<900x1xf32>
    %mul3A_123 = arith.constant 5.000000e-01 : f32
    %mul3A_124 = vector.broadcast %mul3A_123 : f32 to vector<900x1xf32>
    %mul3A_125 = arith.mulf %mul3A_124, %slice3A_83 : vector<900x1xf32>
    %add3A_126 = arith.addf %slice3A_81, %mul3A_125 : vector<900x1xf32>
    %mul3A_127 = arith.constant 5.000000e-01 : f32
    %mul3A_128 = vector.broadcast %mul3A_127 : f32 to vector<1x100xf32>
    %mul3A_129 = arith.mulf %mul3A_128, %slice3A_91 : vector<1x100xf32>
    %sub3A_130 = arith.subf %slice3A_89, %mul3A_129 : vector<1x100xf32>
    %mul3A_131 = arith.constant 5.000000e-01 : f32
    %mul3A_132 = vector.broadcast %mul3A_131 : f32 to vector<1x100xf32>
    %mul3A_133 = arith.mulf %mul3A_132, %slice3A_92 : vector<1x100xf32>
    %sub3A_134 = arith.subf %slice3A_90, %mul3A_133 : vector<1x100xf32>
    %mul3A_135 = arith.constant 5.000000e-01 : f32
    %mul3A_136 = vector.broadcast %mul3A_135 : f32 to vector<1x100xf32>
    %mul3A_137 = arith.mulf %mul3A_136, %slice3A_91 : vector<1x100xf32>
    %add3A_138 = arith.addf %slice3A_89, %mul3A_137 : vector<1x100xf32>
    %mul3A_139 = arith.constant 5.000000e-01 : f32
    %mul3A_140 = vector.broadcast %mul3A_139 : f32 to vector<1x100xf32>
    %mul3A_141 = arith.mulf %mul3A_140, %slice3A_92 : vector<1x100xf32>
    %add3A_142 = arith.addf %slice3A_90, %mul3A_141 : vector<1x100xf32>
    %sub3A_143 = arith.subf %add3A_122, %sub3A_114 : vector<900x1xf32>
    %sub3A_144 = arith.subf %add3A_126, %sub3A_118 : vector<900x1xf32>
    %mul3A_145 = arith.mulf %sub3A_143, %sub3A_144 : vector<900x1xf32>
    %sub3A_146 = arith.subf %add3A_138, %sub3A_130 : vector<1x100xf32>
    %sub3A_147 = arith.subf %add3A_142, %sub3A_134 : vector<1x100xf32>
    %mul3A_148 = arith.mulf %sub3A_146, %sub3A_147 : vector<1x100xf32>
    %max3A = vector.broadcast %sub3A_114 : vector<900x1xf32> to vector<900x100xf32>
    %max3A_149 = vector.broadcast %sub3A_130 : vector<1x100xf32> to vector<900x100xf32>
    %max3A_150 = arith.maximumf %max3A, %max3A_149 : vector<900x100xf32>
    %max3A_151 = vector.broadcast %sub3A_118 : vector<900x1xf32> to vector<900x100xf32>
    %max3A_152 = vector.broadcast %sub3A_134 : vector<1x100xf32> to vector<900x100xf32>
    %max3A_153 = arith.maximumf %max3A_151, %max3A_152 : vector<900x100xf32>
    %min3A = vector.broadcast %add3A_122 : vector<900x1xf32> to vector<900x100xf32>
    %min3A_154 = vector.broadcast %add3A_138 : vector<1x100xf32> to vector<900x100xf32>
    %min3A_155 = arith.minimumf %min3A, %min3A_154 : vector<900x100xf32>
    %min3A_156 = vector.broadcast %add3A_126 : vector<900x1xf32> to vector<900x100xf32>
    %min3A_157 = vector.broadcast %add3A_142 : vector<1x100xf32> to vector<900x100xf32>
    %min3A_158 = arith.minimumf %min3A_156, %min3A_157 : vector<900x100xf32>
    %sub3A_159 = arith.subf %min3A_155, %max3A_150 : vector<900x100xf32>
    %max3A_160 = arith.constant 0.000000e+00 : f32
    %max3A_161 = vector.broadcast %max3A_160 : f32 to vector<900x100xf32>
    %max3A_162 = arith.maximumf %sub3A_159, %max3A_161 : vector<900x100xf32>
    %sub3A_163 = arith.subf %min3A_158, %max3A_153 : vector<900x100xf32>
    %max3A_164 = arith.constant 0.000000e+00 : f32
    %max3A_165 = vector.broadcast %max3A_164 : f32 to vector<900x100xf32>
    %max3A_166 = arith.maximumf %sub3A_163, %max3A_165 : vector<900x100xf32>
    %mul3A_167 = arith.mulf %max3A_162, %max3A_166 : vector<900x100xf32>
    %add3A_168 = vector.broadcast %mul3A_145 : vector<900x1xf32> to vector<900x100xf32>
    %add3A_169 = vector.broadcast %mul3A_148 : vector<1x100xf32> to vector<900x100xf32>
    %add3A_170 = arith.addf %add3A_168, %add3A_169 : vector<900x100xf32>
    %sub3A_171 = arith.subf %add3A_170, %mul3A_167 : vector<900x100xf32>
    %add3A_172 = arith.constant 9.99999993E-9 : f32
    %add3A_173 = vector.broadcast %add3A_172 : f32 to vector<900x100xf32>
    %add3A_174 = arith.addf %sub3A_171, %add3A_173 : vector<900x100xf32>
    %div3A = arith.divf %mul3A_167, %add3A_174 : vector<900x100xf32>
    %min3A_175 = vector.broadcast %sub3A_114 : vector<900x1xf32> to vector<900x100xf32>
    %min3A_176 = vector.broadcast %sub3A_130 : vector<1x100xf32> to vector<900x100xf32>
    %min3A_177 = arith.minimumf %min3A_175, %min3A_176 : vector<900x100xf32>
    %min3A_178 = vector.broadcast %sub3A_118 : vector<900x1xf32> to vector<900x100xf32>
    %min3A_179 = vector.broadcast %sub3A_134 : vector<1x100xf32> to vector<900x100xf32>
    %min3A_180 = arith.minimumf %min3A_178, %min3A_179 : vector<900x100xf32>
    %max3A_181 = vector.broadcast %add3A_122 : vector<900x1xf32> to vector<900x100xf32>
    %max3A_182 = vector.broadcast %add3A_138 : vector<1x100xf32> to vector<900x100xf32>
    %max3A_183 = arith.maximumf %max3A_181, %max3A_182 : vector<900x100xf32>
    %max3A_184 = vector.broadcast %add3A_126 : vector<900x1xf32> to vector<900x100xf32>
    %max3A_185 = vector.broadcast %add3A_142 : vector<1x100xf32> to vector<900x100xf32>
    %max3A_186 = arith.maximumf %max3A_184, %max3A_185 : vector<900x100xf32>
    %sub3A_187 = arith.subf %max3A_183, %min3A_177 : vector<900x100xf32>
    %max3A_188 = arith.constant 0.000000e+00 : f32
    %max3A_189 = vector.broadcast %max3A_188 : f32 to vector<900x100xf32>
    %max3A_190 = arith.maximumf %sub3A_187, %max3A_189 : vector<900x100xf32>
    %sub3A_191 = arith.subf %max3A_186, %min3A_180 : vector<900x100xf32>
    %max3A_192 = arith.constant 0.000000e+00 : f32
    %max3A_193 = vector.broadcast %max3A_192 : f32 to vector<900x100xf32>
    %max3A_194 = arith.maximumf %sub3A_191, %max3A_193 : vector<900x100xf32>
    %mul3A_195 = arith.mulf %max3A_190, %max3A_194 : vector<900x100xf32>
    %sub3A_196 = arith.subf %mul3A_195, %sub3A_171 : vector<900x100xf32>
    %add3A_197 = arith.constant 9.99999993E-9 : f32
    %add3A_198 = vector.broadcast %add3A_197 : f32 to vector<900x100xf32>
    %add3A_199 = arith.addf %mul3A_195, %add3A_198 : vector<900x100xf32>
    %div3A_200 = arith.divf %sub3A_196, %add3A_199 : vector<900x100xf32>
    %sub3A_201 = arith.subf %div3A, %div3A_200 : vector<900x100xf32>
    %neg3A_202 = arith.constant 0.000000e+00 : f32
    %neg3A_203 = vector.broadcast %neg3A_202 : f32 to vector<900x100xf32>
    %neg3A_204 = arith.subf %neg3A_203, %sub3A_201 : vector<900x100xf32>
    %mul3A_205 = arith.constant 5.000000e+00 : f32
    %mul3A_206 = vector.broadcast %mul3A_205 : f32 to vector<900x100xf32>
    %mul3A_207 = arith.mulf %mul3A_206, %add3A_110 : vector<900x100xf32>
    %mul3A_208 = arith.constant 2.000000e+00 : f32
    %mul3A_209 = vector.broadcast %mul3A_208 : f32 to vector<900x100xf32>
    %mul3A_210 = arith.mulf %mul3A_209, %mul3A_75 : vector<900x100xf32>
    %add3A_211 = arith.addf %mul3A_207, %mul3A_210 : vector<900x100xf32>
    %mul3A_212 = arith.constant 2.000000e+00 : f32
    %mul3A_213 = vector.broadcast %mul3A_212 : f32 to vector<900x100xf32>
    %mul3A_214 = arith.mulf %mul3A_213, %neg3A_204 : vector<900x100xf32>
    %add3A_215 = arith.addf %add3A_211, %mul3A_214 : vector<900x100xf32>
    %swap3A = arith.constant 0 : index
    %swap3A_216 = arith.constant 0 : index
    %swap3A_217 = arith.constant 0 : index
    %swap3A_218 = vector.load %arg5[%swap3A, %swap3A_216, %swap3A_217] : memref<1x900x100xf32, #tpu.memory_space<vmem>>, vector<1x900x100xf32>
    %swap3A_219 = vector.shape_cast %swap3A_218 : vector<1x900x100xf32> to vector<900x100xf32>
    %swap3A_220 = vector.shape_cast %add3A_215 : vector<900x100xf32> to vector<1x900x100xf32>
    tpu.vector_store %arg5[%swap3A, %swap3A_216, %swap3A_217], %swap3A_220 {strides = array<i32>} : memref<1x900x100xf32, #tpu.memory_space<vmem>>, vector<1x900x100xf32>,
    %swap3A_221 = arith.constant 0 : index
    %swap3A_222 = arith.constant 0 : index
    %swap3A_223 = arith.constant 0 : index
    %swap3A_224 = vector.load %arg6[%swap3A_221, %swap3A_222, %swap3A_223] : memref<1x912x128xf32, #tpu.memory_space<vmem>>, vector<1x900x100xf32>
    %swap3A_225 = vector.shape_cast %swap3A_224 : vector<1x900x100xf32> to vector<900x100xf32>
    %swap3A_226 = vector.shape_cast %add3A_215 : vector<900x100xf32> to vector<1x900x100xf32>
    tpu.vector_store %arg6[%swap3A_221, %swap3A_222, %swap3A_223], %swap3A_226 {strides = array<i32>} : memref<1x912x128xf32, #tpu.memory_space<vmem>>, vector<1x900x100xf32>,
    %broadcast_in_dim3A = arith.constant 1.000000e+30 : f32
    %broadcast_in_dim3A_227 = vector.broadcast %broadcast_in_dim3A : f32 to vector<900x28xf32>
    %swap3A_228 = arith.constant 0 : index
    %swap3A_229 = arith.constant 0 : index
    %swap3A_230 = arith.constant 100 : index
    %swap3A_231 = vector.load %arg6[%swap3A_228, %swap3A_229, %swap3A_230] : memref<1x912x128xf32, #tpu.memory_space<vmem>>, vector<1x900x28xf32>
    %swap3A_232 = vector.shape_cast %swap3A_231 : vector<1x900x28xf32> to vector<900x28xf32>
    %swap3A_233 = vector.shape_cast %broadcast_in_dim3A_227 : vector<900x28xf32> to vector<1x900x28xf32>
    tpu.vector_store %arg6[%swap3A_228, %swap3A_229, %swap3A_230], %swap3A_233 {strides = array<i32>} : memref<1x912x128xf32, #tpu.memory_space<vmem>>, vector<1x900x28xf32>,
    %broadcast_in_dim3A_234 = arith.constant 1.000000e+30 : f32
    %broadcast_in_dim3A_235 = vector.broadcast %broadcast_in_dim3A_234 : f32 to vector<12x128xf32>
    %swap3A_236 = arith.constant 0 : index
    %swap3A_237 = arith.constant 900 : index
    %swap3A_238 = arith.constant 0 : index
    %swap3A_239 = vector.load %arg6[%swap3A_236, %swap3A_237, %swap3A_238] : memref<1x912x128xf32, #tpu.memory_space<vmem>>, vector<1x12x128xf32>
    %swap3A_240 = vector.shape_cast %swap3A_239 : vector<1x12x128xf32> to vector<12x128xf32>
    %swap3A_241 = vector.shape_cast %broadcast_in_dim3A_235 : vector<12x128xf32> to vector<1x12x128xf32>
    tpu.vector_store %arg6[%swap3A_236, %swap3A_237, %swap3A_238], %swap3A_241 {strides = array<i32>} : memref<1x912x128xf32, #tpu.memory_space<vmem>>, vector<1x12x128xf32>,
    %reduce_min3A = arith.constant dense<0x7F800000> : vector<900xf32>
    %reduce_min3A_242 = vector.multi_reduction <minimumf>, %add3A_215, %reduce_min3A [1] : vector<900x100xf32> to vector<900xf32>
    %broadcast_in_dim3A_243 = vector.shape_cast %reduce_min3A_242 : vector<900xf32> to vector<900x1xf32>
    %transpose3A = tpu.transpose %broadcast_in_dim3A_243, [1, 0] : vector<900x1xf32> -> vector<1x900xf32>
    %broadcast_in_dim3A_244 = arith.constant 1.000000e+30 : f32
    %broadcast_in_dim3A_245 = vector.broadcast %broadcast_in_dim3A_244 : f32 to vector<1x124xf32>
    %concatenate3A = tpu.concatenate %transpose3A, %broadcast_in_dim3A_245 in 1 : vector<1x900xf32>, vector<1x124xf32> -> vector<1x1024xf32>
    %swap3A_246 = arith.constant 0 : index
    %swap3A_247 = arith.constant 0 : index
    %swap3A_248 = arith.constant 0 : index
    %swap3A_249 = vector.load %arg7[%swap3A_246, %swap3A_247, %swap3A_248] : memref<1x1x1024xf32, #tpu.memory_space<vmem>>, vector<1x1x1024xf32>
    %swap3A_250 = vector.shape_cast %swap3A_249 : vector<1x1x1024xf32> to vector<1x1024xf32>
    %swap3A_251 = vector.shape_cast %concatenate3A : vector<1x1024xf32> to vector<1x1x1024xf32>
    tpu.vector_store %arg7[%swap3A_246, %swap3A_247, %swap3A_248], %swap3A_251 {strides = array<i32>} : memref<1x1x1024xf32, #tpu.memory_space<vmem>>, vector<1x1x1024xf32>,
    return
  }
  func.func @transform_0(%arg0: i32) -> (i32, i32, i32) {
    %c0_i32 = arith.constant 0 : i32
    %c0_i32_0 = arith.constant 0 : i32
    %c0_i32_1 = arith.constant 0 : i32
    return %arg0, %c0_i32, %c0_i32_0 : i32, i32, i32
  }
  func.func @transform_1(%arg0: i32) -> (i32, i32, i32) {
    %c0_i32 = arith.constant 0 : i32
    %c0_i32_0 = arith.constant 0 : i32
    %c0_i32_1 = arith.constant 0 : i32
    return %arg0, %c0_i32, %c0_i32_0 : i32, i32, i32
  }
  func.func @transform_2(%arg0: i32) -> (i32, i32, i32) {
    %c0_i32 = arith.constant 0 : i32
    %c0_i32_0 = arith.constant 0 : i32
    %c0_i32_1 = arith.constant 0 : i32
    return %arg0, %c0_i32, %c0_i32_0 : i32, i32, i32
  }
  func.func @transform_3(%arg0: i32) -> (i32, i32, i32) {
    %c0_i32 = arith.constant 0 : i32
    %c0_i32_0 = arith.constant 0 : i32
    %c0_i32_1 = arith.constant 0 : i32
    return %arg0, %c0_i32, %c0_i32_0 : i32, i32, i32
  }
  func.func @transform_4(%arg0: i32) -> (i32, i32, i32) {
    %c0_i32 = arith.constant 0 : i32
    %c0_i32_0 = arith.constant 0 : i32
    %c0_i32_1 = arith.constant 0 : i32
    return %arg0, %c0_i32, %c0_i32_0 : i32, i32, i32
  }
  func.func @transform_5(%arg0: i32) -> (i32, i32, i32) {
    %c0_i32 = arith.constant 0 : i32
    %c0_i32_0 = arith.constant 0 : i32
    %c0_i32_1 = arith.constant 0 : i32
    return %arg0, %c0_i32, %c0_i32_0 : i32, i32, i32
  }
  func.func @transform_6(%arg0: i32) -> (i32, i32, i32) {
    %c0_i32 = arith.constant 0 : i32
    %c0_i32_0 = arith.constant 0 : i32
    %c0_i32_1 = arith.constant 0 : i32
    return %arg0, %c0_i32, %c0_i32_0 : i32, i32, i32
  }
}

</mosaic_0001>

<sc_bundles>
// kernel: kernel.4.cloned.1.call-start
scs
__scs_entry_jumppad:
0x0: {  	(pc) =	sbr.rel $0x88, $3  }
0x1: {  	(tag) =	ssettag $0x0;
	lr =	simm.s32 $0x1  }
0x2: {  	[smem:$0x3F9D] =	sst lr;
	_ =	strace $0xD0000000  }
0x3: {  	_ = 	snop  }
0x4: {  	_ = 	snop  }
0x5: {  	_ = 	snop  }
0x6: {  	_ = 	snop  }
0x7: {  	_ = 	snop  }
__scs_overlays_trampoline_lowered:
0x8: {  	[smem:$0x3FAC] =	sst s0  }
0x9: {  	[smem:$0x3FAD] =	sst s1  }
0xa: {  	[smem:$0x3FAE] =	sst s2  }
0xb: {  	[smem:$0x3FAF] =	sst s3  }
0xc: {  	[smem:$0x3FB0] =	sst s4  }
0xd: {  	[smem:$0x3FB1] =	sst s5  }
0xe: {  	[smem:$0x3FB2] =	sst s6  }
0xf: {  	[smem:$0x3FB3] =	sst s7  }
0x10: {  	[smem:$0x3FB4] =	sst s8  }
0x11: {  	[smem:$0x3FB5] =	sst s9;
	s0 =	simm.s32 @!p0 $0x0  }
0x12: {  	s1 =	sld [smem:$0x3F9B];
	s0 =	simm.s32 @p0 $0x1  }
0x13: {  	[smem:$0x3FB6] =	sst s0;
	s0 =	simm.s32 @!p1 $0x0  }
0x14: {  	s2 =	sld [smem:$0x3F9A];
	s0 =	simm.s32 @p1 $0x1  }
0x15: {  	[smem:$0x3FB7] =	sst s0;
	s0 =	simm.s32 @!p2 $0x0  }
0x16: {  	s3 =	sld [smem:$0x3FDB];
	s0 =	simm.s32 @p2 $0x1  }
0x17: {  	s4 =	simm.s32 $0x1BF5;
	[smem:$0x3FB9] =	sst s0  }
0x18: {  	s0 =	sld [smem:$0x3F9C];
	_ =	swait.ge [sflag:s4], $0x0  }
0x19: {  	s7 =	sld [smem:$0x3F9D]  }
0x1a: {  	s8 =	sadd.s32 $0xFFFFE003, lr  }
0x1b: {  	s9 =	sadd.s32 $0xFFFFFEF7, lr;
	s5 =	simm.s32 $0xFFFFFFFF;
	p2 =	slt.u32 s8, $0xFFFFF086  }
0x1c: {  	p1 =	slt.u32 s9, $0xF7A;
	s5 =	simm.s32 @!p2 $0x0  }
0x1d: {  	s5 =	simm.s32 @p1 $0x1;
	p0 =	seq.s32 s7, s2  }
0x1e: {  	s7 =	smul.u32 @!p0 $0xF7A, s2;
	p2 =	seq.s32 @!p0 s5, $0x0  }
0x1f: {  	s9 =	smul.u32 $0xF7A, s1;
	s8 =	simm.s32 @!p0 $0x1BF5;
	p2 =	por !p2, p0  }
0x20: {  	[sflag:s8] =	ssyncset.s32 @!p0 $0xFFFFF086;
	s6 =	sadd.s32 @!p0 s3, s7;
	s7 =	simm.s32 @!p0 $0x108  }
0x21: {  	s3 =	sadd.s32 s3, s9;
	s6 =	sadd.s32 @!p0 $0x88, s6;
	s7 =	simm.s32 @p2 $0x1082  }
0x22: {  	[simem:s7], [sflag:s8] =	dma.local @!p0 [hbm:s6], $0xF7A  }
0x23: {  	s9 =	sor.u32 $0xD0000000, s2;
	s6 =	simm.s32 $0x108;
	_ =	swait.ge @!p0 [sflag:s8], $0x0  }
0x24: {  	s3 =	sadd.s32 $0x88, s3;
	s6 =	simm.s32 @!p1 $0x1082;
	[sflag:s4] =	ssyncset.s32 $0xFFFFF086  }
0x25: {  	[simem:s6], [sflag:s4] =	dma.local [hbm:s3], $0xF7A  }
0x26: {  	[smem:$0x3F9D] =	sst s1;
	(tag) =	ssettag s2;
	_ =	strace s9  }
0x27: {  	s1 =	sld [smem:$0x3FAD]  }
0x28: {  	s2 =	sld [smem:$0x3FAE]  }
0x29: {  	s4 =	sld [smem:$0x3FB0]  }
0x2a: {  	p0 =	seq.s32 s5, $0x0;
	s5 =	sld [smem:$0x3FB1]  }
0x2b: {  	s6 =	sld [smem:$0x3FB2]  }
0x2c: {  	s7 =	sld [smem:$0x3FB3]  }
0x2d: {  	s3 =	simm.s32 $0x108;
	s8 =	sld [smem:$0x3FB4]  }
0x2e: {  	s3 =	simm.s32 @!p0 $0x1082;
	s9 =	sld [smem:$0x3FB5]  }
0x2f: {  	lr =	sadd.s32 s0, s3;
	s0 =	sld [smem:$0x3FAC]  }
0x30: {  	s3 =	sld [smem:$0x3FAF]  }
0x31: {  	[smem:$0x3FB8] =	sst s10  }
0x32: {  	s10 =	sld [smem:$0x3FB6];
	_ =	sdelay $0x3  }
0x33: {  	p0 =	seq.s32 s10, $0x1;
	s10 =	sld [smem:$0x3FB8];
	_ =	sdelay $0x3  }
0x34: {  	[smem:$0x3FB8] =	sst s10  }
0x35: {  	s10 =	sld [smem:$0x3FB7];
	_ =	sdelay $0x3  }
0x36: {  	p1 =	seq.s32 s10, $0x1;
	s10 =	sld [smem:$0x3FB8];
	_ =	sdelay $0x3  }
0x37: {  	[smem:$0x3FB8] =	sst s10  }
0x38: {  	s10 =	sld [smem:$0x3FB9]  }
0x39: {  	_ = 	snop;
	(pc) =	sbr.ind lr, $3  }
0x3a: {  	_ = 	snop  }
0x3b: {  	_ = 	snop  }
0x3c: {  	p2 =	seq.s32 s10, $0x1;
	s10 =	sld [smem:$0x3FB8]  }
0x3d: {  	_ =	shalt  }
0x3e: {  	_ =	shalt  }
0x3f: {  	_ =	shalt  }
0x40: {  	_ =	shalt  }
0x41: {  	_ =	shalt  }
0x42: {  	_ =	shalt  }
0x43: {  	_ =	shalt  }
0x44: {  	_ =	shalt  }
0x45: {  	_ =	shalt  }
0x46: {  	_ =	shalt  }
0x47: {  	_ =	shalt  }
0x48: {  	_ =	shalt  }
0x49: {  	_ =	shalt  }
0x4a: {  	_ =	shalt  }
0x4b: {  	_ =	shalt  }
0x4c: {  	_ =	shalt  }
0x4d: {  	_ =	shalt  }
0x4e: {  	_ =	shalt  }
0x4f: {  	_ =	shalt  }
0x50: {  	_ =	shalt  }
0x51: {  	_ =	shalt  }
0x52: {  	_ =	shalt  }
0x53: {  	_ =	shalt  }
0x54: {  	_ =	shalt  }
0x55: {  	_ =	shalt  }
0x56: {  	_ =	shalt  }
0x57: {  	_ =	shalt  }
0x58: {  	_ =	shalt  }
0x59: {  	_ =	shalt  }
0x5a: {  	_ =	shalt  }
0x5b: {  	_ =	shalt  }
0x5c: {  	_ =	shalt  }
0x5d: {  	_ =	shalt  }
0x5e: {  	_ =	shalt  }
0x5f: {  	_ =	shalt  }
0x60: {  	_ =	shalt  }
0x61: {  	_ =	shalt  }
0x62: {  	_ =	shalt  }
0x63: {  	_ =	shalt  }
0x64: {  	_ =	shalt  }
0x65: {  	_ =	shalt  }
0x66: {  	_ =	shalt  }
0x67: {  	_ =	shalt  }
0x68: {  	_ =	shalt  }
0x69: {  	_ =	shalt  }
0x6a: {  	_ =	shalt  }
0x6b: {  	_ =	shalt  }
0x6c: {  	_ =	shalt  }
0x6d: {  	_ =	shalt  }
0x6e: {  	_ =	shalt  }
0x6f: {  	_ =	shalt  }
0x70: {  	_ =	shalt  }
0x71: {  	_ =	shalt  }
0x72: {  	_ =	shalt  }
0x73: {  	_ =	shalt  }
0x74: {  	_ =	shalt  }
0x75: {  	_ =	shalt  }
0x76: {  	_ =	shalt  }
0x77: {  	_ =	shalt  }
0x78: {  	_ =	shalt  }
0x79: {  	_ =	shalt  }
0x7a: {  	_ =	shalt  }
0x7b: {  	_ =	shalt  }
0x7c: {  	_ =	shalt  }
0x7d: {  	_ =	shalt  }
0x7e: {  	_ =	shalt  }
0x7f: {  	_ =	shalt  }
0x80: {  	_ =	shalt  }
0x81: {  	_ =	shalt  }
0x82: {  	_ =	shalt  }
0x83: {  	_ =	shalt  }
0x84: {  	_ =	shalt  }
0x85: {  	_ =	shalt  }
0x86: {  	_ =	shalt  }
0x87: {  	_ =	shalt  }
.Lfunc_end0:
.L_simem_size_0:
called_computation_lowered:
.L_overlay_start_0:
0x88: {  	s2 =	sld [smem:$0x3FD9]  }
0x89: {  	s3 =	sld [smem:$0x3FFE];
	_ =	sdelay $0x1  }
0x8a: {  	s1 =	srdreg.scid  }
0x8b: {  	s0 =	sand.u32 $0x1, s1  }
0x8c: {  	s14 =	sshll.u32 s0, $0xA;
	s2 =	sadd.s32 s3, s2  }
0x8d: {  	s2 =	sadd.s32 s2, s14  }
0x8e: {  	[smem:$0x3FC4] =	sst s2  }
0x8f: {  	_ = 	snop  }
0x90: {  	s2 =	sld [smem:$0x3FD0];
	_ =	sdelay $0x2  }
0x91: {  	s15 =	simm.s32 $0xA;
	s4 =	simm.s32 $0x10  }
0x92: {  	[smem:s4], [sflag:s15] =	dma.local [hbm:s2], $0x1  }
0x93: {  	_ =	swait.eq [sflag:s15], $0x1  }
0x94: {  	[sflag:s15] =	ssyncset.done $0x0  }
0x95: {  	s16 =	sld [smem:$0x11];
	[sflag:s15] =	ssyncadd.s32 $0xFFFFFFFF  }
0x96: {  	s17 =	sld [smem:$0x12];
	(tm) =	ssettm $0x1  }
0x97: {  	s18 =	sld [smem:$0x3FFB];
	_ =	sdelay $0x3  }
0x98: {  	_ =	strace s18  }
0x99: {  	s4 =	sld [smem:$0x3FFC];
	_ =	sdelay $0x3  }
0x9a: {  	_ =	strace s4  }
0x9b: {  	s4 =	sld [smem:$0x3FFD];
	_ =	sdelay $0x3  }
0x9c: {  	_ =	strace s4  }
0x9d: {  	_ =	strace $0x8FFFFFFF  }
0x9e: {  	s19 =	sld [smem:$0x3FDB];
	_ =	sdelay $0x1  }
0x9f: {  	s5 =	simm.s32 $_scs_section_size  }
0xa0: {  	s6 =	simm.s32 $_size__tile_overlayer_lowered;
	s7 =	simm.s32 $_tile_overlayer_lowered  }
0xa1: {  	s22 =	simm.s32 $0x1BFF;
	s21 =	sshll.u32 s7, $0x1;
	s4 =	sadd.s32 s5, s19  }
0xa2: {  	s8 =	simm.s32 $0x0;
	s20 =	sshll.u32 s6, $0x1;
	s6 =	sadd.s32 s21, s4  }
0xa3: {  	[timem:s8], [sflag:s22] =	dma.local [hbm:s6], s20  }
0xa4: {  	_ =	swait.ge [sflag:s22], s20  }
0xa5: {  	s5 =	ssub.s32 $0x0, s20;
	[sflag:s22] =	ssyncset.done $0x0  }
0xa6: {  	[sflag:s22] =	ssyncadd.s32 s5;
	_ =	sdelay $0x1  }
0xa7: {  	s23 =	simm.s32 $0x1B8B  }
0xa8: {  	_ =	swait.ge [sflag:s23], $0x1  }
0xa9: {  	[sflag:s23] =	ssyncset.done $0x0  }
0xaa: {  	s25 =	simm.s32 $0x1B8E;
	s24 =	sld [smem:$0x3FFE];
	[sflag:s23] =	ssyncadd.s32 $0xFFFFFFFF  }
0xab: {  	s26 =	simm.s32 $execute0_lowered;
	[smem:$0x3FD2] =	sst s25  }
0xac: {  	s6 =	sshll.u32 s26, $0x1;
	_ =	strace $0x80000046;
	[dreg:$0x1] =	wrdreg $0xFFFFFFFF  }
0xad: {  	s28 =	simm.s32 $_size_execute0_lowered;
	s4 =	sadd.s32 s4, s6;
	[dreg:$0x0] =	wrdreg $0x0  }
0xae: {  	s6 =	sshll.u32 s28, $0x1;
	[dreg:$0x2] =	wrdreg s4  }
0xaf: {  	[dreg:$0x3] =	wrdreg s6  }
0xb0: {  	[dreg:$0x4] =	wrdreg $0xC0  }
0xb1: {  	_ =	task [dreg:s8], $0x5FFFF  }
0xb2: {  	[dreg:$0x1] =	wrdreg $0xFFFFFFFF  }
0xb3: {  	[dreg:$0x0] =	wrdreg $0x60  }
0xb4: {  	[dreg:$0x2] =	wrdreg s24  }
0xb5: {  	[dreg:$0x3] =	wrdreg s16  }
0xb6: {  	[dreg:$0x4] =	wrdreg s17  }
0xb7: {  	[dreg:$0x5] =	wrdreg $0x9  }
0xb8: {  	_ =	task.clear_ibuf [dreg:s8], $0x6FFFF;
	_ =	strace $0x90000046  }
0xb9: {  	s29 =	simm.s32 $0x9;
	_ =	strace $0x80000048  }
0xba: {  	_ =	swait.ge [sflag:s29], $0x1  }
0xbb: {  	[sflag:s29] =	ssyncadd.s32 $0xFFFFFFFF  }
0xbc: {  	_ =	strace $0x90000048  }
0xbd: {  	_ =	sfence  }
0xbe: {  	s30 =	sld [smem:$0x0];
	_ =	sdelay $0x2  }
0xbf: {  	s31 =	sshll.u32 s1, $0xD;
	s1 =	sshrl.u32 s1, $0x2  }
0xc0: {  	s3 =	sand.u32 $0x4000, s31;
	s1 =	sadd.s32 s1, s30  }
0xc1: {  	s0 =	sor.u32 s3, s0;
	s1 =	sshll.u32 s1, $0x11  }
0xc2: {  	s0 =	sor.u32 s1, s0  }
0xc3: {  	s0 =	sadd.s32 $0x8F2B, s0  }
0xc4: {  	[sflag:s0] =	ssyncadd.remote.s32 $0x1  }
0xc5: {  	_ =	sfence.sel $0xFFFF  }
0xc6: {  	[dreg:$0x0] =	wrdreg $0xFFFFFFFF;
	(pc) =	sbr.abs _section_cstart, $3  }
0xc7: {  	[dreg:$0x1] =	wrdreg $0xFFFFFFFF  }
0xc8: {  	_ =	task.clear_ibuf [dreg:s8], $0x2FFFF;
	_ =	strace $0x9FFFFFFF  }
0xc9: {  	(tm) =	ssettm $0x7FFFFFFF  }
tec
execute0_lowered:
.L_overlay_start_1:
0x0: {  	(tag) =	ssettag $0x1  }
0x1: {  	s1 =	stileid.u32  }
0x2: {  	p0 =	sgt.u32 s1, $0x3  }
.Ltmp0:
0x3: {  	s3 =	rddreg [dreg:$0x0];
	(pc) =	sbr.rel @p0 .LBB2_6-.Ltmp0, $4  }
0x4: {  	s4 =	rddreg [dreg:$0x1]  }
0x5: {  	s5 =	rddreg [dreg:$0x2];
	s2 =	simm.s32 $0x0  }
0x6: {  	[smem:$0x7FF] =	sst s2  }
0x7: {  	s0 =	rddreg [dreg:$0x3];
	_ =	strace $0x80000047  }
0x8: {  	vm0 =	vmmov $0x1;
	v10 =	vimm.s32 $0x0  }
0x9: {  	v10 =	vsel vm0, $0xFFFFFFFF, v10  }
0xa: {  	vm5 =	vmmov $0x3;
	[tilespmem:$0x1FF80] =	vst v10;
	v10 =	vimm.s32 $0x0  }
0xb: {  	v10 =	vsel vm5, $0xFFFFFFFF, v10  }
0xc: {  	vm4 =	vmmov $0x7;
	[tilespmem:$0x1FF90] =	vst v10;
	v10 =	vimm.s32 $0x0  }
0xd: {  	v10 =	vsel vm4, $0xFFFFFFFF, v10  }
0xe: {  	vm5 =	vmmov $0xf;
	[tilespmem:$0x1FFA0] =	vst v10;
	v10 =	vimm.s32 $0x0  }
0xf: {  	v0 =	vlaneseq.u32;
	v1 =	vimm.f32 $0.0e+00;
	v10 =	vsel vm5, $0xFFFFFFFF, v10  }
0x10: {  	v2 =	vimm.s32 $0x0;
	vm4 =	vmmov $0x1f;
	[tilespmem:$0x1FFB0] =	vst v10;
	v10 =	vimm.s32 $0x0  }
0x11: {  	s6 =	srdreg.scid;
	s7 =	sshll.u32 s1, $0x8;
	vm8 =	vmmov $0x1ff;
	vm9 =	vmmov $0x3ff;
	v10 =	vsel vm4, $0xFFFFFFFF, v10  }
0x12: {  	s30 =	sadd.s32 $0x1400, s3;
	s10 =	simm.s32 $0x1;
	s11 =	simm.s32 $0x1C800;
	vm10 =	vmmov $0x7ff;
	vm5 =	vmmov $0x3f;
	[tilespmem:$0x1FFC0] =	vst v10;
	v10 =	vimm.s32 $0x0  }
0x13: {  	vm11 =	vmmov $0xfff;
	vm12 =	vmmov $0x1fff;
	s12 =	simm.s32 $0x1CD00;
	s13 =	simm.s32 $0x1CD80;
	s6 =	sand.u32 $0x1, s6;
	v10 =	vsel vm5, $0xFFFFFFFF, v10  }
0x14: {  	vm13 =	vmmov $0x3fff;
	s14 =	simm.s32 $0x0;
	s8 =	sshll.u32 s6, $0x7;
	s6 =	ssub.s32 $0x2, s6;
	vm4 =	vmmov $0x7f;
	[tilespmem:$0x1FFD0] =	vst v10;
	v10 =	vimm.s32 $0x0  }
0x15: {  	vm14 =	vmmov $0x7fff;
	v3 =	vor.u32 $0x10, v0;
	s7 =	sor.u32 s8, s7;
	s9 =	sshrl.u32 s6, $0x1;
	s8 =	simm.s32 $0x80;
	v10 =	vsel vm4, $0xFFFFFFFF, v10  }
0x16: {  	v4 =	vor.u32 $0x20, v0;
	s31 =	sadd.s32 s7, s3;
	s7 =	sshrl.u32 s7, $0x3;
	s9 =	ssub.s32 s6, s9;
	vm5 =	vmmov $0xff;
	[tilespmem:$0x1FFE0] =	vst v10;
	v10 =	vimm.s32 $0x0  }
0x17: {  	v5 =	vor.u32 $0x30, v0;
	v6 =	vor.u32 $0x40, v0;
	s3 =	sadd.s32 $0x1000, s31;
	s4 =	sadd.s32 s4, s7;
	s5 =	sadd.s32 s5, s7;
	v10 =	vsel vm5, $0xFFFFFFFF, v10  }
0x18: {  	v7 =	vor.u32 $0x50, v0;
	v8 =	vor.u32 $0x60, v0;
	v9 =	vor.u32 $0x70, v0;
	s6 =	sadd.s32 s30, s7;
	s7 =	smax.u32 s9, $0x1;
	s9 =	simm.s32 $0x400;
	[tilespmem:$0x1FFF0] =	vst v10  }
.LBB2_2:
0x19: {  	s15 =	simm.s32 $0x0  }
0x1a: {  	[tilespmem:s15], [sflag:$0x1] =	stream.strided.gather [hbm4b:s6+s8], $0x1C800, s9, s8, $0x38;
	[tilespmem:$0x1CE00] =	vst v63  }
0x1b: {  	_ =	swait.ge [sflag:s10], $0x1C800  }
0x1c: {  	[sflag:s10] =	ssyncset.done $0x0  }
0x1d: {  	[sflag:s10] =	ssyncadd.s32 $0xFFFE3800  }
0x1e: {  	[tilespmem:s11], [sflag:$0x1] =	stream.linear.gather [hbm4b:s3+s15], $0x400, $0x38;
	[tilespmem:$0x1CE00] =	vst v63  }
0x1f: {  	_ =	swait.ge [sflag:s10], $0x400  }
0x20: {  	v29 =	vld [tilespmem:$0x1FF80]  }
0x21: {  	v54 =	vld [tilespmem:$0x1FF90]  }
0x22: {  	v56 =	vld [tilespmem:$0x1FFA0]  }
0x23: {  	v60 =	vld [tilespmem:$0x1FFB0]  }
0x24: {  	v32 =	vld [tilespmem:$0x1FFC0]  }
0x25: {  	[sflag:s10] =	ssyncset.done $0x0;
	v36 =	vld [tilespmem:$0x1FFD0]  }
0x26: {  	v39 =	vld [tilespmem:$0x1FFE0];
	[sflag:s10] =	ssyncadd.s32 $0xFFFFFC00  }
0x27: {  	v10 =	vld [tilespmem:$0x1C800]  }
0x28: {  	v11 =	vld [tilespmem:$0x1C810]  }
0x29: {  	v12 =	vld [tilespmem:$0x1C820]  }
0x2a: {  	v13 =	vld [tilespmem:$0x1C830]  }
0x2b: {  	v14 =	vld [tilespmem:$0x1C840]  }
0x2c: {  	v41 =	vld [tilespmem:$0x1C870]  }
0x2d: {  	(xrf0) =	vmin.scan.msk.f32 $0xffff, v10;
	v10 =	vld [tilespmem:$0x1C850]  }
0x2e: {  	(xrf0) =	vmin.scan.msk.f32 $0xffff, v11;
	v11 =	vld [tilespmem:$0x1C860]  }
0x2f: {  	v42 =	vld [tilespmem:$0x1C880];
	(xrf0) =	vmin.scan.msk.f32 $0xffff, v12  }
0x30: {  	v43 =	vld [tilespmem:$0x1C890];
	(xrf0) =	vmin.scan.msk.f32 $0xffff, v13  }
0x31: {  	v44 =	vld [tilespmem:$0x1C8C0];
	(xrf0) =	vmin.scan.msk.f32 $0xffff, v14  }
0x32: {  	(xrf0) =	vmin.scan.msk.f32 $0xffff, v10;
	v10 =	vld [tilespmem:$0x1C8A0]  }
0x33: {  	v15, _, _ =	vpop (xrf0);
	(xrf0) =	vmin.scan.msk.f32 $0xffff, v11;
	v11 =	vld [tilespmem:$0x1C8B0]  }
0x34: {  	v45 =	vld [tilespmem:$0x1C8D0];
	v16, _, _ =	vpop (xrf0);
	(xrf0) =	vmin.scan.msk.f32 $0xffff, v41  }
0x35: {  	v46 =	vld [tilespmem:$0x1C8E0];
	v17, _, _ =	vpop (xrf0);
	(xrf0) =	vmin.scan.msk.f32 $0xffff, v42  }
0x36: {  	v47 =	vld [tilespmem:$0x1C910];
	v18, _, _ =	vpop (xrf0);
	(xrf0) =	vmin.scan.msk.f32 $0xffff, v43  }
0x37: {  	v19, _, _ =	vpop (xrf0);
	(xrf0) =	vmin.scan.msk.f32 $0xffff, v10;
	v10 =	vld [tilespmem:$0x1C8F0]  }
0x38: {  	v20, _, _ =	vpop (xrf0);
	(xrf0) =	vmin.scan.msk.f32 $0xffff, v11;
	v11 =	vld [tilespmem:$0x1C900]  }
0x39: {  	v48 =	vld [tilespmem:$0x1C920];
	v21, _, _ =	vpop (xrf0);
	(xrf0) =	vmin.scan.msk.f32 $0xffff, v44  }
0x3a: {  	v49 =	vld [tilespmem:$0x1C930];
	v22, _, _ =	vpop (xrf0);
	(xrf0) =	vmin.scan.msk.f32 $0xffff, v45  }
0x3b: {  	v50 =	vld [tilespmem:$0x1C960];
	v23, _, _ =	vpop (xrf0);
	(xrf0) =	vmin.scan.msk.f32 $0xffff, v46  }
0x3c: {  	v24, _, _ =	vpop (xrf0);
	(xrf0) =	vmin.scan.msk.f32 $0xffff, v10;
	v10 =	vld [tilespmem:$0x1C940]  }
0x3d: {  	v25, _, _ =	vpop (xrf0);
	(xrf0) =	vmin.scan.msk.f32 $0xffff, v11;
	v11 =	vld [tilespmem:$0x1C950]  }
0x3e: {  	v51 =	vld [tilespmem:$0x1C970];
	v26, _, _ =	vpop (xrf0);
	(xrf0) =	vmin.scan.msk.f32 $0xffff, v47  }
0x3f: {  	v52 =	vld [tilespmem:$0x1C980];
	v27, _, _ =	vpop (xrf0);
	(xrf0) =	vmin.scan.msk.f32 $0xffff, v48  }
0x40: {  	v59 =	vld [tilespmem:$0x1C9B0];
	v28, _, _ =	vpop (xrf0);
	(xrf0) =	vmin.scan.msk.f32 $0xffff, v49  }
0x41: {  	v15 =	vbroadcast v15, $0xF;
	v53 =	vbroadcast v18, $0xF;
	v18, _, _ =	vpop (xrf0);
	(xrf0) =	vmin.scan.msk.f32 $0xffff, v10;
	v10 =	vld [tilespmem:$0x1C990]  }
0x42: {  	v16 =	vbroadcast v16, $0xF;
	v55 =	vbroadcast v19, $0xF;
	v19, _, _ =	vpop (xrf0);
	(xrf0) =	vmin.scan.msk.f32 $0xffff, v11;
	v11 =	vld [tilespmem:$0x1C9A0]  }
0x43: {  	v63 =	vld [tilespmem:$0x1C9C0];
	vm0 =	vnez.u8 v29;
	v17 =	vbroadcast v17, $0xF;
	v58, _, _ =	vpop (xrf0);
	(xrf0) =	vmin.scan.msk.f32 $0xffff, v50  }
0x44: {  	v35 =	vld [tilespmem:$0x1C9D0];
	[tilespmem:$0x1CC80] =	vst v1;
	vm1 =	vnez.u8 v54;
	v15 =	vsel vm0, v15, v16;
	v62, _, _ =	vpop (xrf0);
	(xrf0) =	vmin.scan.msk.f32 $0xffff, v51  }
0x45: {  	[tilespmem:$0x1CC90] =	vst v1;
	vm2 =	vnez.u8 v56;
	v42 =	vld [tilespmem:$0x1FFF0];
	v15 =	vsel vm1, v15, v17;
	v34, _, _ =	vpop (xrf0);
	(xrf0) =	vmin.scan.msk.f32 $0xffff, v52  }
0x46: {  	vm3 =	vnez.u8 v60;
	v15 =	vsel vm2, v15, v53;
	v57 =	vbroadcast v20, $0xF;
	v38, _, _ =	vpop (xrf0);
	(xrf0) =	vmin.scan.msk.f32 $0xffff, v10;
	v10 =	vld [tilespmem:$0x1C9E0]  }
0x47: {  	vm4 =	vnez.u8 v32;
	v15 =	vsel vm3, v15, v55;
	v61 =	vbroadcast v21, $0xF;
	v41, _, _ =	vpop (xrf0);
	(xrf0) =	vmin.scan.msk.f32 $0xffff, v11;
	v11 =	vld [tilespmem:$0x1C9F0]  }
0x48: {  	vm5 =	vnez.u8 v36;
	v45 =	vld [tilespmem:$0x1CA00];
	v15 =	vsel vm4, v15, v57;
	v33 =	vbroadcast v22, $0xF;
	v44, _, _ =	vpop (xrf0);
	(xrf0) =	vmin.scan.msk.f32 $0xffff, v59  }
0x49: {  	vm6 =	vnez.u8 v39;
	v15 =	vsel vm5, v15, v61;
	v37 =	vbroadcast v23, $0xF;
	v49 =	vld [tilespmem:$0x1CA10];
	v48, _, _ =	vpop (xrf0);
	(xrf0) =	vmin.scan.msk.f32 $0xffff, v63  }
0x4a: {  	vm7 =	vnez.u8 v42;
	v15 =	vsel vm6, v15, v33;
	v40 =	vbroadcast v24, $0xF;
	v52 =	vld [tilespmem:$0x1CA20];
	v51, _, _ =	vpop (xrf0);
	(xrf0) =	vmin.scan.msk.f32 $0xffff, v35  }
0x4b: {  	v15 =	vsel vm7, v15, v37;
	v43 =	vbroadcast v25, $0xF;
	v26 =	vbroadcast v26, $0xF;
	v54, _, _ =	vpop (xrf0);
	(xrf0) =	vmin.scan.msk.f32 $0xffff, v10;
	v10 =	vld [tilespmem:$0x1CA30]  }
0x4c: {  	v15 =	vsel vm8, v15, v40;
	v46 =	vbroadcast v58, $0xF;
	v47 =	vbroadcast v62, $0xF;
	v56, _, _ =	vpop (xrf0);
	(xrf0) =	vmin.scan.msk.f32 $0xffff, v11;
	v11 =	vld [tilespmem:$0x1CA40]  }
0x4d: {  	v15 =	vsel vm9, v15, v43;
	v27 =	vbroadcast v27, $0xF;
	v50 =	vbroadcast v34, $0xF;
	v59 =	vld [tilespmem:$0x1CA50];
	v58, _, _ =	vpop (xrf0);
	(xrf0) =	vmin.scan.msk.f32 $0xffff, v45  }
0x4e: {  	v15 =	vsel vm10, v15, v26;
	v62 =	vld [tilespmem:$0x1CA60];
	v16 =	vsel vm0, v46, v47;
	v53 =	vbroadcast v38, $0xF;
	v61, _, _ =	vpop (xrf0);
	(xrf0) =	vmin.scan.msk.f32 $0xffff, v49  }
0x4f: {  	v29 =	vld [tilespmem:$0x1CA70];
	v16 =	vsel vm1, v16, v50;
	v55 =	vbroadcast v41, $0xF;
	v63 =	vbroadcast v28, $0xF;
	v28, _, _ =	vpop (xrf0);
	(xrf0) =	vmin.scan.msk.f32 $0xffff, v52  }
0x50: {  	v15 =	vsel vm11, v15, v27;
	v16 =	vsel vm2, v16, v53;
	v57 =	vbroadcast v44, $0xF;
	v31, _, _ =	vpop (xrf0);
	(xrf0) =	vmin.scan.msk.f32 $0xffff, v10;
	v10 =	vld [tilespmem:$0x1CA80]  }
0x51: {  	v18 =	vbroadcast v18, $0xF;
	v16 =	vsel vm3, v16, v55;
	v60 =	vbroadcast v48, $0xF;
	v33, _, _ =	vpop (xrf0);
	(xrf0) =	vmin.scan.msk.f32 $0xffff, v11;
	v11 =	vld [tilespmem:$0x1CA90]  }
0x52: {  	v36 =	vld [tilespmem:$0x1CAA0];
	v16 =	vsel vm4, v16, v57;
	v27 =	vbroadcast v51, $0xF;
	v15 =	vsel vm12, v15, v63;
	v35, _, _ =	vpop (xrf0);
	(xrf0) =	vmin.scan.msk.f32 $0xffff, v59  }
0x53: {  	v39 =	vld [tilespmem:$0x1CAB0];
	v16 =	vsel vm5, v16, v60;
	v30 =	vbroadcast v54, $0xF;
	v15 =	vsel vm13, v15, v18;
	v38, _, _ =	vpop (xrf0);
	(xrf0) =	vmin.scan.msk.f32 $0xffff, v62  }
0x54: {  	v43 =	vld [tilespmem:$0x1CAC0];
	v16 =	vsel vm6, v16, v27;
	v32 =	vbroadcast v56, $0xF;
	v15 =	vsel vm14, v15, v19;
	v42, _, _ =	vpop (xrf0);
	(xrf0) =	vmin.scan.msk.f32 $0xffff, v29  }
0x55: {  	v16 =	vsel vm7, v16, v30;
	v34 =	vbroadcast v58, $0xF;
	[tilespmem:$0x1CC00] =	vst v15;
	v45, _, _ =	vpop (xrf0);
	(xrf0) =	vmin.scan.msk.f32 $0xffff, v10;
	v10 =	vld [tilespmem:$0x1CAD0]  }
0x56: {  	v16 =	vsel vm8, v16, v32;
	v37 =	vbroadcast v61, $0xF;
	v41 =	vbroadcast v28, $0xF;
	v47, _, _ =	vpop (xrf0);
	(xrf0) =	vmin.scan.msk.f32 $0xffff, v11;
	v11 =	vld [tilespmem:$0x1CAE0]  }
0x57: {  	v51 =	vld [tilespmem:$0x1CAF0];
	v40 =	vsel vm9, v16, v34;
	v44 =	vbroadcast v38, $0xF;
	v17 =	vbroadcast v42, $0xF;
	v50, _, _ =	vpop (xrf0);
	(xrf0) =	vmin.scan.msk.f32 $0xffff, v36  }
0x58: {  	v55 =	vld [tilespmem:$0x1CB00];
	v15 =	vsel vm10, v40, v37;
	v46 =	vbroadcast v31, $0xF;
	v20 =	vbroadcast v45, $0xF;
	v54, _, _ =	vpop (xrf0);
	(xrf0) =	vmin.scan.msk.f32 $0xffff, v39  }
0x59: {  	v58 =	vld [tilespmem:$0x1CB10];
	v15 =	vsel vm11, v15, v41;
	v17 =	vsel vm0, v44, v17;
	v49 =	vbroadcast v47, $0xF;
	v57, _, _ =	vpop (xrf0);
	(xrf0) =	vmin.scan.msk.f32 $0xffff, v43  }
0x5a: {  	v48 =	vbroadcast v33, $0xF;
	v52 =	vsel vm1, v17, v20;
	v53 =	vbroadcast v50, $0xF;
	v60, _, _ =	vpop (xrf0);
	(xrf0) =	vmin.scan.msk.f32 $0xffff, v10;
	v10 =	vld [tilespmem:$0x1CB20]  }
0x5b: {  	v15 =	vsel vm12, v15, v46;
	v16 =	vsel vm2, v52, v49;
	v56 =	vbroadcast v54, $0xF;
	v63, _, _ =	vpop (xrf0);
	(xrf0) =	vmin.scan.msk.f32 $0xffff, v11;
	v11 =	vld [tilespmem:$0x1CB30]  }
0x5c: {  	v23 =	vld [tilespmem:$0x1CB40];
	v15 =	vsel vm13, v15, v48;
	v16 =	vsel vm3, v16, v53;
	v59 =	vbroadcast v57, $0xF;
	v22, _, _ =	vpop (xrf0);
	(xrf0) =	vmin.scan.msk.f32 $0xffff, v51  }
0x5d: {  	v26 =	vld [tilespmem:$0x1CB50];
	v15 =	vsel vm14, v15, v35;
	v61 =	vsel vm4, v16, v56;
	v62 =	vbroadcast v60, $0xF;
	v25, _, _ =	vpop (xrf0);
	(xrf0) =	vmin.scan.msk.f32 $0xffff, v55  }
0x5e: {  	v29 =	vld [tilespmem:$0x1CB60];
	[tilespmem:$0x1CC10] =	vst v15;
	v15 =	vsel vm5, v61, v59;
	v21 =	vbroadcast v63, $0xF;
	v28, _, _ =	vpop (xrf0);
	(xrf0) =	vmin.scan.msk.f32 $0xffff, v58  }
0x5f: {  	[tilespmem:$0x1CCA0] =	vst v1;
	v15 =	vsel vm6, v15, v62;
	v24 =	vbroadcast v22, $0xF;
	v31, _, _ =	vpop (xrf0);
	(xrf0) =	vmin.scan.msk.f32 $0xffff, v10;
	v10 =	vld [tilespmem:$0x1CB70]  }
0x60: {  	[tilespmem:$0x1CCB0] =	vst v1;
	v15 =	vsel vm7, v15, v21;
	v27 =	vbroadcast v25, $0xF;
	v33, _, _ =	vpop (xrf0);
	(xrf0) =	vmin.scan.msk.f32 $0xffff, v11;
	v11 =	vld [tilespmem:$0x1CB80]  }
0x61: {  	[tilespmem:$0x1CCC0] =	vst v1;
	v36 =	vld [tilespmem:$0x1CB90];
	v15 =	vsel vm8, v15, v24;
	v30 =	vbroadcast v28, $0xF;
	v35, _, _ =	vpop (xrf0);
	(xrf0) =	vmin.scan.msk.f32 $0xffff, v23  }
0x62: {  	[tilespmem:$0x1CCD0] =	vst v1;
	v39 =	vld [tilespmem:$0x1CBA0];
	v15 =	vsel vm9, v15, v27;
	v32 =	vbroadcast v31, $0xF;
	v38, _, _ =	vpop (xrf0);
	(xrf0) =	vmin.scan.msk.f32 $0xffff, v26  }
0x63: {  	[tilespmem:$0x1CCE0] =	vst v1;
	v41 =	vld [tilespmem:$0x1CBB0];
	v15 =	vsel vm10, v15, v30;
	v34 =	vbroadcast v33, $0xF;
	v40, _, _ =	vpop (xrf0);
	(xrf0) =	vmin.scan.msk.f32 $0xffff, v29  }
0x64: {  	[tilespmem:$0x1CCF0] =	vst v1;
	v15 =	vsel vm11, v15, v32;
	v37 =	vbroadcast v35, $0xF;
	v42, _, _ =	vpop (xrf0);
	(xrf0) =	vmin.scan.msk.f32 $0xffff, v10;
	v10 =	vld [tilespmem:$0x1CBC0]  }
0x65: {  	v15 =	vsel vm12, v15, v34;
	v16 =	vbroadcast v40, $0xF;
	v17 =	vbroadcast v42, $0xF;
	v43, _, _ =	vpop (xrf0);
	(xrf0) =	vmin.scan.msk.f32 $0xffff, v11;
	v11 =	vld [tilespmem:$0x1CBD0]  }
0x66: {  	[tilespmem:$0x1CD00] =	vst v2;
	v46 =	vld [tilespmem:$0x1CBE0];
	v15 =	vsel vm13, v15, v37;
	v44 =	vbroadcast v43, $0xF;
	v45, _, _ =	vpop (xrf0);
	(xrf0) =	vmin.scan.msk.f32 $0xffff, v36  }
0x67: {  	v15 =	vsel vm14, v15, v38;
	v16 =	vsel vm0, v16, v17;
	v47, _, _ =	vpop (xrf0);
	(xrf0) =	vmin.scan.msk.f32 $0xffff, v39;
	v48 =	vbroadcast v45, $0xF  }
0x68: {  	[tilespmem:$0x1CC20] =	vst v15;
	v15 =	vsel vm1, v16, v44;
	v49, _, _ =	vpop (xrf0);
	(xrf0) =	vmin.scan.msk.f32 $0xffff, v41;
	v50 =	vbroadcast v47, $0xF  }
0x69: {  	[tilespmem:$0x1CD80] =	vst v0;
	v13 =	vsel vm2, v15, v48;
	v51 =	vbroadcast v49, $0xF;
	v52, _, _ =	vpop (xrf0);
	(xrf0) =	vmin.scan.msk.f32 $0xffff, v10  }
0x6a: {  	[tilespmem:$0x1CD10] =	vst v2;
	v10 =	vld [tilespmem:$0x1CBF0];
	v13 =	vsel vm3, v13, v50;
	v53, _, _ =	vpop (xrf0);
	(xrf0) =	vmin.scan.msk.f32 $0xffff, v11;
	v11 =	vbroadcast v52, $0xF  }
0x6b: {  	[tilespmem:$0x1CD90] =	vst v3;
	v13 =	vsel vm4, v13, v51;
	v14 =	vbroadcast v53, $0xF;
	v54, _, _ =	vpop (xrf0);
	(xrf0) =	vmin.scan.msk.f32 $0xffff, v46  }
0x6c: {  	[tilespmem:$0x1CD20] =	vst v2;
	v55, _, _ =	vpop (xrf0);
	v11 =	vsel vm5, v13, v11;
	v56 =	vbroadcast v54, $0xF  }
0x6d: {  	[tilespmem:$0x1CDA0] =	vst v4;
	v57, _, _ =	vpop (xrf0);
	v11 =	vsel vm6, v11, v14;
	v12 =	vbroadcast v55, $0xF  }
0x6e: {  	[tilespmem:$0x1CD30] =	vst v2;
	v11 =	vsel vm7, v11, v56;
	v58 =	vbroadcast v57, $0xF;
	v59, _, _ =	vpop (xrf0)  }
0x6f: {  	[tilespmem:$0x1CDB0] =	vst v5;
	(xrf0) =	vmin.scan.msk.f32 $0xffff, v10;
	v10, _, _ =	vpop (xrf0);
	v11 =	vsel vm8, v11, v12;
	v60 =	vbroadcast v59, $0xF  }
0x70: {  	[tilespmem:$0x1CD40] =	vst v2;
	v61, _, _ =	vpop (xrf0);
	v11 =	vsel vm9, v11, v58;
	v10 =	vbroadcast v10, $0xF  }
0x71: {  	[tilespmem:$0x1CDC0] =	vst v6;
	v62, _, _ =	vpop (xrf0);
	v11 =	vsel vm10, v11, v60  }
0x72: {  	[tilespmem:$0x1CD50] =	vst v2;
	v10 =	vsel vm11, v11, v10;
	v11 =	vbroadcast v62, $0xF  }
0x73: {  	[tilespmem:$0x1CDD0] =	vst v7;
	v63 =	vbroadcast v61, $0xF  }
0x74: {  	[tilespmem:$0x1CD60] =	vst v2  }
0x75: {  	[tilespmem:$0x1CDE0] =	vst v8;
	v10 =	vsel vm12, v10, v63  }
0x76: {  	[tilespmem:$0x1CD70] =	vst v2;
	v10 =	vsel vm13, v10, v11;
	v11, _, _ =	vpop (xrf0)  }
0x77: {  	[tilespmem:$0x1CDF0] =	vst v9;
	v10 =	vsel vm14, v10, v11  }
0x78: {  	[tilespmem:$0x1CC30] =	vst v10  }
.LBB2_3:
0x79: {  	v13 =	vld [tilespmem:$0x1CC00]  }
0x7a: {  	v12 =	vld [tilespmem:$0x1CC10]  }
0x7b: {  	v11 =	vld [tilespmem:$0x1CC20]  }
0x7c: {  	v10 =	vld [tilespmem:$0x1CC30];
	_ =	sdelay $0x4  }
0x7d: {  	v14 =	vmin.f32 v13, v12;
	v15 =	vmin.f32 v11, v10  }
0x7e: {  	v14 =	vmin.f32 v14, v15  }
0x7f: {  	(xrf0) =	vmin.scan.msk.f32 $0xffff, v14;
	_ =	sdelay $0x5  }
0x80: {  	v14, _, _ =	vpop (xrf0)  }
0x81: {  	v15 =	vbroadcast v14, $0xF;
	_ =	sdelay $0x1  }
0x82: {  	vm0 =	veq.f32 v10, v15;
	v10 =	vor.u32 $0x80000030, v0  }
0x83: {  	vm1 =	veq.f32 v11, v15;
	v11 =	vor.u32 $0x80000020, v0;
	v16 =	vnsel vm0, $0x80000040, v10  }
0x84: {  	vm0 =	veq.f32 v12, v15;
	v12 =	vor.u32 $0x80000010, v0;
	v16 =	vsel vm1, v11, v16  }
0x85: {  	vm1 =	veq.f32 v13, v15;
	v13 =	vor.u32 $0x80000000, v0;
	v16 =	vsel vm0, v12, v16  }
0x86: {  	v16 =	vsel vm1, v13, v16  }
0x87: {  	(xrf0) =	vmin.scan.msk.u32 $0xffff, v16;
	_ =	sdelay $0x5  }
0x88: {  	(v2sf) =	vpush v14, $0xF;
	v14, _, _ =	vpop (xrf0)  }
0x89: {  	(v2sf) =	vpush v14, $0xF;
	_ =	sdelay $0xd  }
0x8a: {  	s18 =	spop (v2sf)  }
0x8b: {  	s19 =	spop (v2sf)  }
0x8c: {  	s20 =	sshll.u32 s19, $0x4  }
0x8d: {  	v16 =	vld [tilespmem:s20+$0x1C800];
	_ =	sdelay $0x4  }
0x8e: {  	vm0 =	veq.f32 v16, v15  }
0x8f: {  	v14 =	vnsel vm0, $0x80000010, v13  }
0x90: {  	(xrf0) =	vmin.scan.msk.u32 $0xffff, v14;
	_ =	sdelay $0x5  }
0x91: {  	v14, _, _ =	vpop (xrf0)  }
0x92: {  	(v2sf) =	vpush v14, $0xF;
	_ =	sdelay $0xe  }
0x93: {  	s16 =	spop (v2sf)  }
0x94: {  	s21 =	sxor.u32 $0x80000000, s16  }
0x95: {  	s17 =	sadd.s32 s21, s20  }
0x96: {  	s22 =	sshll.u32 s17, $0x9  }
0x97: {  	v14 =	vld [tilespmem:$0x1CC80];
	s22 =	sshra.s32 s22, $0x2  }
0x98: {  	v15 =	vld [tilespmem:s22+$0x0]  }
0x99: {  	v17 =	vld [tilespmem:$0x1CC90]  }
0x9a: {  	v18 =	vld [tilespmem:s22+$0x10]  }
0x9b: {  	v19 =	vld [tilespmem:$0x1CCA0]  }
0x9c: {  	vm0 =	vgt.f32 v14, $0.0e+00;
	v14 =	vld [tilespmem:s22+$0x20]  }
0x9d: {  	v20 =	vld [tilespmem:$0x1CCB0];
	v15 =	vsel vm0, $0x7149F2CA, v15  }
0x9e: {  	vm0 =	vgt.f32 v17, $0.0e+00;
	v17 =	vld [tilespmem:s22+$0x30];
	vm15 =	vlt.f32 v15, $1.000000020e+30  }
0x9f: {  	v21 =	vld [tilespmem:$0x1CCC0];
	v18 =	vsel vm0, $0x7149F2CA, v18;
	v15 =	vnsel vm15, $0x7149F2CA, v15  }
0xa0: {  	vm1 =	vgt.f32 v19, $0.0e+00;
	v57 =	vld [tilespmem:s22+$0x40];
	vm0 =	vlt.f32 v18, v15  }
0xa1: {  	v58 =	vld [tilespmem:$0x1CCD0];
	v14 =	vsel vm1, $0x7149F2CA, v14;
	v15 =	vsel vm0, v18, v15  }
0xa2: {  	vm2 =	vgt.f32 v20, $0.0e+00;
	v59 =	vld [tilespmem:s22+$0x50];
	vm1 =	vlt.f32 v14, v15  }
0xa3: {  	v14 =	vsel vm1, v14, v15;
	v15 =	vsel vm2, $0x7149F2CA, v17;
	v17 =	vld [tilespmem:$0x1CCE0]  }
0xa4: {  	vm3 =	vgt.f32 v21, $0.0e+00;
	v60 =	vld [tilespmem:s22+$0x60];
	vm2 =	vlt.f32 v15, v14  }
0xa5: {  	v61 =	vld [tilespmem:$0x1CCF0];
	v14 =	vsel vm2, v15, v14;
	v15 =	vsel vm3, $0x7149F2CA, v57  }
0xa6: {  	vm4 =	vgt.f32 v58, $0.0e+00;
	v62 =	vld [tilespmem:s22+$0x70];
	vm3 =	vlt.f32 v15, v14  }
0xa7: {  	v14 =	vsel vm3, v15, v14;
	v15 =	vsel vm4, $0x7149F2CA, v59  }
0xa8: {  	vm5 =	vgt.f32 v17, $0.0e+00;
	vm4 =	vlt.f32 v15, v14  }
0xa9: {  	v14 =	vsel vm4, v15, v14;
	v15 =	vsel vm5, $0x7149F2CA, v60  }
0xaa: {  	vm6 =	vgt.f32 v61, $0.0e+00;
	vm5 =	vlt.f32 v15, v14  }
0xab: {  	v14 =	vsel vm5, v15, v14;
	v15 =	vsel vm6, $0x7149F2CA, v62  }
0xac: {  	vm6 =	vlt.f32 v15, v14  }
0xad: {  	v14 =	vsel vm6, v15, v14  }
0xae: {  	(xrf0) =	vmin.scan.msk.f32 $0xffff, v14;
	_ =	sdelay $0x5  }
0xaf: {  	v15, _, _ =	vpop (xrf0)  }
0xb0: {  	(v2sf) =	vpush v15, $0xF;
	_ =	sdelay $0x2  }
0xb1: {  	s28 =	sxor.u32 $0x80000000, s19  }
0xb2: {  	s23 =	sshra.s32 s28, $0x1F  }
0xb3: {  	s23 =	sshrl.u32 s23, $0x1C  }
0xb4: {  	s23 =	sadd.s32 s23, s28  }
0xb5: {  	p1 =	sgt.s32 s19, $0xFFFFFFFF;
	p0 =	slt.s32 s28, $0x1;
	s24 =	sand.u32 $0xFFFFFFF0, s23  }
0xb6: {  	p0 =	por p1, p0;
	p6 =	sne.s32 s28, s24;
	v17 =	vmov s21;
	v15 =	vbroadcast v15, $0xF  }
0xb7: {  	p0 =	por !p0, !p6;
	vm7 =	veq.s32 v17, v0  }
0xb8: {  	p0 =	por !p0, !p0;
	s21 =	simm.s32 $0x1;
	v16 =	vsel vm7, v15, v16  }
0xb9: {  	s29 =	sshrl.u32 s23, $0x4;
	s21 =	simm.s32 @!p0 $0x0;
	(xrf0) =	vmin.scan.msk.f32 $0xffff, v16  }
0xba: {  	s21 =	ssub.s32 s29, s21  }
0xbb: {  	s21 =	sshll.u32 s21, $0x6  }
0xbc: {  	s30 =	sshra.s32 s21, $0x2;
	[tilespmem:s20+$0x1C800] =	vst v16  }
0xbd: {  	v16 =	vld [tilespmem:s30+$0x1CC00];
	s31 =	spop (v2sf)  }
0xbe: {  	p0 =	sne.f32 s31, s18  }
.Ltmp1:
0xbf: {  	s19 =	sand.u32 $0xF, s19;
	v17, _, _ =	vpop (xrf0);
	(pc) =	sbr.rel @p0 .LBB2_3-.Ltmp1, $4  }
0xc0: {  	v63 =	vmov s19;
	v17 =	vbroadcast v17, $0xF  }
0xc1: {  	vm7 =	veq.s32 v63, v0  }
0xc2: {  	v16 =	vsel vm7, v17, v16  }
0xc3: {  	[tilespmem:s30+$0x1CC00] =	vst v16  }
0xc4: {  	v13 =	vnsel vm15, $0x80000080, v13  }
0xc5: {  	v12 =	vsel vm0, v12, v13  }
0xc6: {  	v11 =	vsel vm1, v11, v12  }
0xc7: {  	v10 =	vsel vm2, v10, v11;
	v11 =	vor.u32 $0x80000040, v0  }
0xc8: {  	v10 =	vsel vm3, v11, v10;
	v11 =	vor.u32 $0x80000050, v0  }
0xc9: {  	v10 =	vsel vm4, v11, v10;
	v11 =	vor.u32 $0x80000060, v0  }
0xca: {  	v10 =	vsel vm5, v11, v10;
	v11 =	vor.u32 $0x80000070, v0  }
0xcb: {  	vm4 =	veq.f32 v14, v15;
	v10 =	vsel vm6, v11, v10  }
0xcc: {  	v10 =	vnsel vm4, $0x80000080, v10  }
0xcd: {  	(xrf0) =	vmin.scan.msk.u32 $0xffff, v10;
	_ =	sdelay $0x5  }
0xce: {  	v10, _, _ =	vpop (xrf0)  }
0xcf: {  	(v2sf) =	vpush v10, $0xF;
	_ =	sdelay $0xe  }
0xd0: {  	s18 =	spop (v2sf)  }
0xd1: {  	s19 =	sxor.u32 $0x80000000, s18  }
0xd2: {  	s20 =	sshra.s32 s19, $0x1F  }
0xd3: {  	s20 =	sshrl.u32 s20, $0x1C  }
0xd4: {  	s20 =	sadd.s32 s20, s19  }
0xd5: {  	s21 =	sand.u32 $0xFFFFFFF0, s20  }
0xd6: {  	p0 =	slt.s32 s19, $0x1;
	p1 =	sne.s32 s19, s21  }
0xd7: {  	p0 =	por !p0, !p1  }
0xd8: {  	s19 =	simm.s32 $0x1;
	p0 =	por !p0, !p0  }
0xd9: {  	s25 =	sshra.s32 s17, $0x1F;
	s20 =	sshrl.u32 s20, $0x4;
	s19 =	simm.s32 @!p0 $0x0  }
0xda: {  	s26 =	sshrl.u32 s25, $0x1C;
	s19 =	ssub.s32 s20, s19  }
0xdb: {  	s20 =	sadd.s32 s26, s17;
	s19 =	sshll.u32 s19, $0x4  }
0xdc: {  	s28 =	sand.u32 $0xFFFFFFF0, s20;
	v10 =	vld [tilespmem:s19+$0x1CD00]  }
0xdd: {  	p3 =	slt.s32 s17, $0x1;
	v11 =	vld [tilespmem:s19+$0x1CC80];
	p4 =	sne.s32 s17, s28  }
0xde: {  	s18 =	sand.u32 $0xF, s18;
	p0 =	por !p3, !p4  }
0xdf: {  	v62 =	vmov s18;
	s18 =	simm.s32 $0x1;
	p0 =	por !p0, !p0  }
0xe0: {  	vm5 =	veq.s32 v62, v0;
	s20 =	sshra.s32 s20, $0x4;
	s18 =	simm.s32 @!p0 $0x0  }
0xe1: {  	s29 =	ssub.s32 s20, s18;
	v10 =	vsel vm5, s17, v10  }
0xe2: {  	s18 =	sshll.u32 s29, $0x6;
	[tilespmem:s19+$0x1CD00] =	vst v10;
	v10 =	vsel vm5, $0x7149F2CA, v11  }
0xe3: {  	s18 =	sshra.s32 s18, $0x2;
	[tilespmem:s19+$0x1CC80] =	vst v10  }
0xe4: {  	s30 =	sshrl.u32 s29, $0x1C;
	v10 =	vld [tilespmem:s18+$0x1C800]  }
0xe5: {  	s19 =	sadd.s32 s30, s29  }
0xe6: {  	s16 =	sand.u32 $0xF, s16;
	s31 =	sand.u32 $0xFFFFFFF0, s19  }
0xe7: {  	p5 =	slt.s32 s29, $0x1;
	v11 =	vmov s16;
	p6 =	sne.s32 s29, s31  }
0xe8: {  	vm4 =	veq.s32 v11, v0;
	p0 =	por !p5, !p6  }
0xe9: {  	s16 =	simm.s32 $0x1;
	p0 =	por !p0, !p0;
	v10 =	vsel vm4, $0x7149F2CA, v10  }
0xea: {  	s19 =	sshrl.u32 s19, $0x4;
	s16 =	simm.s32 @!p0 $0x0;
	(xrf0) =	vmin.scan.msk.f32 $0xffff, v10  }
0xeb: {  	s16 =	ssub.s32 s19, s16  }
0xec: {  	s16 =	sshll.u32 s16, $0x6  }
0xed: {  	[tilespmem:s18+$0x1C800] =	vst v10;
	s16 =	sshra.s32 s16, $0x2  }
0xee: {  	s15 =	sadd.s32 $0x1, s15;
	v10 =	vld [tilespmem:s16+$0x1CC00]  }
0xef: {  	p0 =	sne.s32 s15, $0x64  }
.Ltmp2:
0xf0: {  	s17 =	sand.u32 $0xF, s29;
	v11, _, _ =	vpop (xrf0);
	(pc) =	sbr.rel @p0 .LBB2_3-.Ltmp2, $4  }
0xf1: {  	v63 =	vmov s17;
	v11 =	vbroadcast v11, $0xF  }
0xf2: {  	vm5 =	veq.s32 v63, v0  }
0xf3: {  	v10 =	vsel vm5, v11, v10  }
0xf4: {  	[tilespmem:s16+$0x1CC00] =	vst v10  }
0xf5: {  	[hbm4b:s4+s2] =	stream.linear.scatter [tilespmem:s12], [sflag:$0x1], $0x80, $0x38;
	[tilespmem:$0x1CE00] =	vst v63  }
0xf6: {  	s14 =	sadd.s32 $0x1, s14;
	_ =	swait.ge [sflag:s10], $0x80  }
0xf7: {  	p0 =	sne.s32 s14, s7;
	[sflag:s10] =	ssyncset.done $0x0  }
.Ltmp3:
0xf8: {  	[sflag:s10] =	ssyncadd.s32 $0xFFFFFF80;
	(pc) =	sbr.rel @p0 .LBB2_2-.Ltmp3, $4  }
0xf9: {  	[hbm4b:s5+s2] =	stream.linear.scatter [tilespmem:s13], [sflag:$0x1], $0x80, $0x38;
	[tilespmem:$0x1CE00] =	vst v63  }
0xfa: {  	_ =	swait.ge [sflag:s10], $0x80  }
0xfb: {  	[sflag:s10] =	ssyncset.done $0x0  }
0xfc: {  	[sflag:s10] =	ssyncadd.s32 $0xFFFFFF80  }
.LBB2_6:
0xfd: {  	_ =	sfence.sel $0x180000  }
0xfe: {  	[bflag:$0x0] =	sbarrier.arrive $0xFFFF  }
0xff: {  	p0 =	sne.s32 s1, $0x0;
	_ =	strace $0x90000047  }
0x100: {  	s0 =	sadd.s32 @!p0 $0x100000, s0;
	[bflag:$0x2] =	sbarrier.arrive $0xFFFF  }
0x101: {  	[sflag:s0] =	ssyncadd.tile.s32 @!p0 $0x1;
	_ =	shalt  }
.Lfunc_end2:
_tile_overlayer_lowered:
.L_overlay_start_2:
0x102: {  	(tag) =	ssettag $0x2  }
0x103: {  	s0 =	rddreg [dreg:$0x0];
	s2 =	stileid.u32  }
0x104: {  	s1 =	rddreg [dreg:$0x1];
	p0 =	sne.s32 s2, $0x0  }
0x105: {  	s3 =	rddreg [dreg:$0x2];
	[bflag:$0x3] =	sbarrier.arrive $0xFFFF;
	s2 =	simm.s32 @!p0 $0x1C01  }
0x106: {  	[timem:s3], [sflag:s2] =	dma.local @!p0 [hbm:s0], s1  }
0x107: {  	s0 =	simm.s32 @!p0 $0x1  }
0x108: {  	_ =	swait.ge @!p0 [sflag:s0], s1  }
0x109: {  	s1 =	ssub.s32 @!p0 $0x0, s1;
	[sflag:s0] =	ssyncset.done @!p0 $0x0  }
0x10a: {  	[sflag:s0] =	ssyncadd.s32 @!p0 s1  }
0x10b: {  	[bflag:$0x3] =	sbarrier.arrive $0xFFFF  }
0x10c: {  	_ =	shalt  }

</sc_bundles>
